<compile_context>
chip_gen: v7x
topology: tpu7x:2x2x1
jax: 0.10.2.dev20260603
libtpu: 0.0.44.dev20260713+nightly
codegen_flags: <defaults>
</compile_context>

<pallas_src>
import functools

import jax
import jax.numpy as jnp
from jax import lax
from jax.experimental import pallas as pl
from jax.experimental.pallas import tpu as pltpu
from jax.experimental.pallas import tpu_sc as plsc

_T = 2048
_H = 768
_F = 1536
_E = 16
_B = 128
_NB = 32
_PT = _NB * _B
_NC = 2
_NS = 16
_NW = _NC * _NS
_TW = _T // _NW
_GW = 128


def _router_body(x_ref, wr_ref, br_ref, pos_ref, gate_ref, be_ref):
    x = x_ref[...]
    logits = jnp.dot(x, wr_ref[...], preferred_element_type=jnp.float32)
    logits = logits + br_ref[...]
    m = jnp.max(logits, axis=1, keepdims=True)
    ids = lax.broadcasted_iota(jnp.int32, (_T, _E), 1)
    idx = jnp.min(jnp.where(logits == m, ids, _E), axis=1, keepdims=True)
    s = jax.nn.sigmoid(m)
    gate = s / (s + 1e-10)
    oh = (ids == idx).astype(jnp.float32)
    oht = lax.transpose(oh, (1, 0))
    cs = oht
    k = 1
    while k < _T:
        cs = cs + jnp.concatenate(
            [jnp.zeros((_E, k), jnp.float32), cs[:, :-k]], axis=1)
        k *= 2
    rank_t = jnp.sum(oht * cs, axis=0, keepdims=True) - 1.0
    cnt = cs[:, _T - 1:_T]
    nblk = jnp.floor((cnt + (_B - 1)) * (1.0 / _B))
    ei = lax.broadcasted_iota(jnp.int32, (_E, _E), 0)
    ej = lax.broadcasted_iota(jnp.int32, (_E, _E), 1)
    lstrict = (ej < ei).astype(jnp.float32)
    blkstart = jnp.dot(lstrict, nblk, preferred_element_type=jnp.float32)
    total = jnp.sum(nblk, axis=0, keepdims=True)
    bs_tok = jnp.sum(oht * blkstart, axis=0, keepdims=True)
    pos = bs_tok * _B + rank_t
    pos_ref[...] = pos.astype(jnp.int32)
    gate_ref[...] = jnp.broadcast_to(gate, (_T, _GW))
    b_ids = lax.broadcasted_iota(jnp.int32, (1, _NB), 1).astype(jnp.float32)
    b_eff = jnp.minimum(b_ids, total - 1.0)
    cmp = (blkstart <= b_eff).astype(jnp.float32)
    be = jnp.sum(cmp, axis=0, keepdims=True) - 1.0
    be_ref[...] = jnp.concatenate([be, b_eff], axis=0).astype(jnp.int32)


def _router(x, wr, br2):
    return pl.pallas_call(
        _router_body,
        out_shape=(
            jax.ShapeDtypeStruct((1, _T), jnp.int32),
            jax.ShapeDtypeStruct((_T, _GW), jnp.float32),
            jax.ShapeDtypeStruct((2, _NB), jnp.int32),
        ),
    )(x, wr, br2)


@functools.cache
def _sc_mesh():
    return plsc.VectorSubcoreMesh(core_axis_name="c", subcore_axis_name="s")


def _dispatch_body(x_hbm, pos_hbm, gate_hbm, xs_hbm, gs_hbm,
                   idx_v, rows_v, gr_v, sem1, sem2, sem3):
    wid = lax.axis_index("s") * _NC + lax.axis_index("c")
    base = wid * _TW
    l1 = pltpu.async_copy(pos_hbm.at[pl.ds(base, _TW)], idx_v, sem1)
    l2 = pltpu.async_copy(x_hbm.at[pl.ds(base, _TW)], rows_v, sem2)
    l3 = pltpu.async_copy(gate_hbm.at[pl.ds(base, _TW)], gr_v, sem3)
    l1.wait()
    l2.wait()
    a = pltpu.async_copy(rows_v, xs_hbm.at[idx_v], sem1)
    l3.wait()
    b = pltpu.async_copy(gr_v, gs_hbm.at[idx_v], sem2)
    a.wait()
    b.wait()


def _dispatch(x, pos, gate2):
    f = pl.kernel(
        _dispatch_body,
        mesh=_sc_mesh(),
        out_type=(
            jax.ShapeDtypeStruct((_PT, _H), jnp.float32),
            jax.ShapeDtypeStruct((_PT, _GW), jnp.float32),
        ),
        scratch_types=[
            pltpu.VMEM((_TW,), jnp.int32),
            pltpu.VMEM((_TW, _H), jnp.float32),
            pltpu.VMEM((_TW, _GW), jnp.float32),
            pltpu.SemaphoreType.DMA,
            pltpu.SemaphoreType.DMA,
            pltpu.SemaphoreType.DMA,
        ],
    )
    return f(x, pos, gate2)


def _glu_body(be_ref, xs_ref, gs_ref, wg_ref, wu_ref, wd_ref, out_ref):
    xb = xs_ref[...].astype(jnp.bfloat16)
    g = jnp.dot(xb, wg_ref[0].astype(jnp.bfloat16),
                preferred_element_type=jnp.float32)
    u = jnp.dot(xb, wu_ref[0].astype(jnp.bfloat16),
                preferred_element_type=jnp.float32)
    h = g * jax.nn.sigmoid(g) * u
    y = jnp.dot(h.astype(jnp.bfloat16), wd_ref[0].astype(jnp.bfloat16),
                preferred_element_type=jnp.float32)
    out_ref[...] = y * gs_ref[:, 0:1]


def _glu(be, xs, gs, w_gate, w_up, w_down):
    grid_spec = pltpu.PrefetchScalarGridSpec(
        num_scalar_prefetch=1,
        grid=(_NB,),
        in_specs=[
            pl.BlockSpec((_B, _H), lambda b, be_s: (be_s[1, b], 0)),
            pl.BlockSpec((_B, _GW), lambda b, be_s: (be_s[1, b], 0)),
            pl.BlockSpec((1, _H, _F), lambda b, be_s: (be_s[0, b], 0, 0)),
            pl.BlockSpec((1, _H, _F), lambda b, be_s: (be_s[0, b], 0, 0)),
            pl.BlockSpec((1, _F, _H), lambda b, be_s: (be_s[0, b], 0, 0)),
        ],
        out_specs=pl.BlockSpec((_B, _H), lambda b, be_s: (be_s[1, b], 0)),
    )
    return pl.pallas_call(
        _glu_body,
        grid_spec=grid_spec,
        out_shape=jax.ShapeDtypeStruct((_PT, _H), jnp.float32),
        compiler_params=pltpu.CompilerParams(
            dimension_semantics=("arbitrary",)),
    )(be, xs, gs, w_gate, w_up, w_down)


def _combine_body(ys_hbm, pos_hbm, out_hbm, idx_v, rows_v, sem):
    wid = lax.axis_index("s") * _NC + lax.axis_index("c")
    base = wid * _TW
    pltpu.sync_copy(pos_hbm.at[pl.ds(base, _TW)], idx_v)
    pltpu.async_copy(ys_hbm.at[idx_v], rows_v, sem).wait()
    pltpu.sync_copy(rows_v, out_hbm.at[pl.ds(base, _TW)])


def _combine(ys, pos):
    f = pl.kernel(
        _combine_body,
        mesh=_sc_mesh(),
        out_type=jax.ShapeDtypeStruct((_T, _H), jnp.float32),
        scratch_types=[
            pltpu.VMEM((_TW,), jnp.int32),
            pltpu.VMEM((_TW, _H), jnp.float32),
            pltpu.SemaphoreType.DMA,
        ],
    )
    return f(ys, pos)


def kernel(x, Wr, br, W_gate, W_up, W_down, training=False):
    pos2, gate2, be2 = _router(x, Wr, br.reshape(1, _E))
    pos = pos2.reshape(_T)
    be = be2
    xs, gs = _dispatch(x, pos, gate2)
    ys = _glu(be, xs, gs, W_gate, W_up, W_down)
    return _combine(ys, pos)

# --- scband reference (transcript-rebuilt; emitter-appended) ---
"""Pipeline reference for scband-mo-e-15152644620517 (READ-ONLY COPY).

The authoritative reference and input builder live on the scoring server;
editing this copy changes nothing except your own understanding.
"""

import jax, jax.numpy as jnp
import numpy as np

TOP_K = 1
N_EXPERT = 16
N_HIDDEN = 768
N_FF = 1536
T = 2048


def setup_inputs(seed: int = 0) -> dict:
    key = jax.random.key(seed)
    ks = jax.random.split(key, 6)
    x = jax.random.normal(ks[0], (T, N_HIDDEN), dtype=jnp.float32)
    Wr = jax.random.normal(ks[1], (N_HIDDEN, N_EXPERT), dtype=jnp.float32) * np.float32(1.0 / np.sqrt(N_HIDDEN))
    br = jnp.zeros((N_EXPERT,), dtype=jnp.float32)
    W_gate = jax.random.normal(ks[2], (N_EXPERT, N_HIDDEN, N_FF), dtype=jnp.float32) * 0.02
    W_up = jax.random.normal(ks[3], (N_EXPERT, N_HIDDEN, N_FF), dtype=jnp.float32) * 0.02
    W_down = jax.random.normal(ks[4], (N_EXPERT, N_FF, N_HIDDEN), dtype=jnp.float32) * 0.02
    return {"x": x, "Wr": Wr, "br": br, "W_gate": W_gate, "W_up": W_up, "W_down": W_down, "training": False}


def reference(x, Wr, br, W_gate, W_up, W_down, training=False):
    # router
    router_logits = x @ Wr + br                              # [T, E]
    topk_vals, topk_idx = jax.lax.top_k(router_logits, TOP_K)  # [T, k]
    topk_gates = jax.nn.sigmoid(topk_vals)
    topk_gates = topk_gates / (jnp.sum(topk_gates, axis=-1, keepdims=True) + 1e-10)
    # per-expert combine weights: comb[t, e] = sum_k gates[t,k] * (idx[t,k]==e)
    onehot = jax.nn.one_hot(topk_idx, N_EXPERT, dtype=x.dtype)  # [T, k, E]
    comb = jnp.einsum('tk,tke->te', topk_gates, onehot)          # [T, E]
    # GLU expert MLP, applied per expert and combined (mathematically identical
    # to sparse dispatch: tokens with zero gate contribute zero)
    def body(acc, ew):
        Wg, Wu, Wd, w = ew
        h = jax.nn.silu(x @ Wg) * (x @ Wu)   # [T, FF]
        y = h @ Wd                             # [T, H]
        return (acc + w[:, None] * y).astype(acc.dtype), None
    out, _ = jax.lax.scan(body, jnp.zeros_like(x), (W_gate, W_up, W_down, comb.T))
    return out

if __name__ == "__main__":
    import jax
    _d = setup_inputs()
    print(jax.jit(kernel)(*tuple(_d.values())))

</pallas_src>

<mosaic_0001>
#map = affine_map<(d0, d1) -> (0, 0)>
#map1 = affine_map<(d0, d1) -> (0)>
module attributes {stable_mosaic.version = 14 : i64} {
  func.func @_dispatch_body(%arg0: i32, %arg1: i32, %arg2: memref<2048x768xf32, #tpu.memory_space<hbm>>, %arg3: memref<2048xi32, #tpu.memory_space<hbm>>, %arg4: memref<2048x128xf32, #tpu.memory_space<hbm>>, %arg5: memref<4096x768xf32, #tpu.memory_space<hbm>>, %arg6: memref<4096x128xf32, #tpu.memory_space<hbm>>, %arg7: memref<64xi32, #tpu.memory_space<vmem>>, %arg8: memref<64x768xf32, #tpu.memory_space<vmem>>, %arg9: memref<64x128xf32, #tpu.memory_space<vmem>>, %arg10: memref<!tpu.dma_semaphore, #tpu.memory_space<semaphore_mem>>, %arg11: memref<!tpu.dma_semaphore, #tpu.memory_space<semaphore_mem>>, %arg12: memref<!tpu.dma_semaphore, #tpu.memory_space<semaphore_mem>>) attributes {dimension_semantics = [#tpu.dimension_semantics<core_parallel>, #tpu.dimension_semantics<subcore_parallel>], iteration_bounds = array<i64: 2, 16>, scalar_prefetch = 0 : i64, scratch_operands = 6 : i64, tpu.core_type = #tpu.core_type<sc_vector_subcore>, window_params = [{transform_indices = #map}, {transform_indices = #map1}, {transform_indices = #map}, {transform_indices = #map}, {transform_indices = #map}]} {
    %mul3A = arith.constant 2 : i32
    %mul3A_0 = arith.muli %arg1, %mul3A : i32
    %add3A = arith.addi %mul3A_0, %arg0 : i32
    %mul3A_1 = arith.constant 64 : i32
    %mul3A_2 = arith.muli %add3A, %mul3A_1 : i32
    %dma_start3A = tpu.memref_slice %arg3[%mul3A_2] : memref<2048xi32, #tpu.memory_space<hbm>> -> memref<64xi32, #tpu.memory_space<hbm>>
    %dma_start3A_3 = tpu.memref_slice %arg3[%mul3A_2] : memref<2048xi32, #tpu.memory_space<hbm>> -> memref<64xi32, #tpu.memory_space<hbm>>
    tpu.enqueue_dma source(%dma_start3A_3 : memref<64xi32, #tpu.memory_space<hbm>>) target(%arg7 : memref<64xi32, #tpu.memory_space<vmem>>) target_semaphore(%arg10 : memref<!tpu.dma_semaphore, #tpu.memory_space<semaphore_mem>>)
    %dma_start3A_4 = arith.constant 0 : i32
    %dma_start3A_5 = tpu.memref_slice %arg2[%mul3A_2, %dma_start3A_4] : memref<2048x768xf32, #tpu.memory_space<hbm>> -> memref<64x768xf32, #tpu.memory_space<hbm>>
    %dma_start3A_6 = arith.constant 0 : i32
    %dma_start3A_7 = tpu.memref_slice %arg2[%mul3A_2, %dma_start3A_6] : memref<2048x768xf32, #tpu.memory_space<hbm>> -> memref<64x768xf32, #tpu.memory_space<hbm>>
    tpu.enqueue_dma source(%dma_start3A_7 : memref<64x768xf32, #tpu.memory_space<hbm>>) target(%arg8 : memref<64x768xf32, #tpu.memory_space<vmem>>) target_semaphore(%arg11 : memref<!tpu.dma_semaphore, #tpu.memory_space<semaphore_mem>>)
    %dma_start3A_8 = arith.constant 0 : i32
    %dma_start3A_9 = tpu.memref_slice %arg4[%mul3A_2, %dma_start3A_8] : memref<2048x128xf32, #tpu.memory_space<hbm>> -> memref<64x128xf32, #tpu.memory_space<hbm>>
    %dma_start3A_10 = arith.constant 0 : i32
    %dma_start3A_11 = tpu.memref_slice %arg4[%mul3A_2, %dma_start3A_10] : memref<2048x128xf32, #tpu.memory_space<hbm>> -> memref<64x128xf32, #tpu.memory_space<hbm>>
    tpu.enqueue_dma source(%dma_start3A_11 : memref<64x128xf32, #tpu.memory_space<hbm>>) target(%arg9 : memref<64x128xf32, #tpu.memory_space<vmem>>) target_semaphore(%arg12 : memref<!tpu.dma_semaphore, #tpu.memory_space<semaphore_mem>>)
    %dma_wait3A = tpu.memref_slice %arg3[%mul3A_2] : memref<2048xi32, #tpu.memory_space<hbm>> -> memref<64xi32, #tpu.memory_space<hbm>>
    %dma_wait3A_12 = tpu.memref_slice %arg3[%mul3A_2] : memref<2048xi32, #tpu.memory_space<hbm>> -> memref<64xi32, #tpu.memory_space<hbm>>
    tpu.wait_dma2 semaphore(%arg10 : memref<!tpu.dma_semaphore, #tpu.memory_space<semaphore_mem>>) src(%dma_wait3A_12 : memref<64xi32, #tpu.memory_space<hbm>>) dst(%arg7 : memref<64xi32, #tpu.memory_space<vmem>>)
    %dma_wait3A_13 = arith.constant 0 : i32
    %dma_wait3A_14 = tpu.memref_slice %arg2[%mul3A_2, %dma_wait3A_13] : memref<2048x768xf32, #tpu.memory_space<hbm>> -> memref<64x768xf32, #tpu.memory_space<hbm>>
    %dma_wait3A_15 = arith.constant 0 : i32
    %dma_wait3A_16 = tpu.memref_slice %arg2[%mul3A_2, %dma_wait3A_15] : memref<2048x768xf32, #tpu.memory_space<hbm>> -> memref<64x768xf32, #tpu.memory_space<hbm>>
    tpu.wait_dma2 semaphore(%arg11 : memref<!tpu.dma_semaphore, #tpu.memory_space<semaphore_mem>>) src(%dma_wait3A_16 : memref<64x768xf32, #tpu.memory_space<hbm>>) dst(%arg8 : memref<64x768xf32, #tpu.memory_space<vmem>>)
    %dma_start3A_17 = arith.constant 0 : i32
    %dma_start3A_18 = arith.constant 0 : i32
    %dma_start3A_19 = tpu.memref_slice %arg5[%dma_start3A_17, %dma_start3A_18] : memref<4096x768xf32, #tpu.memory_space<hbm>> -> memref<4096x768xf32, #tpu.memory_space<hbm>>
    tpu.enqueue_indirect_dma source(%arg8 : memref<64x768xf32, #tpu.memory_space<vmem>>) target(%dma_start3A_19 : memref<4096x768xf32, #tpu.memory_space<hbm>>) offsets(%arg7 : memref<64xi32, #tpu.memory_space<vmem>>) semaphore(%arg10 : memref<!tpu.dma_semaphore, #tpu.memory_space<semaphore_mem>>)
    %dma_wait3A_20 = arith.constant 0 : i32
    %dma_wait3A_21 = tpu.memref_slice %arg4[%mul3A_2, %dma_wait3A_20] : memref<2048x128xf32, #tpu.memory_space<hbm>> -> memref<64x128xf32, #tpu.memory_space<hbm>>
    %dma_wait3A_22 = arith.constant 0 : i32
    %dma_wait3A_23 = tpu.memref_slice %arg4[%mul3A_2, %dma_wait3A_22] : memref<2048x128xf32, #tpu.memory_space<hbm>> -> memref<64x128xf32, #tpu.memory_space<hbm>>
    tpu.wait_dma2 semaphore(%arg12 : memref<!tpu.dma_semaphore, #tpu.memory_space<semaphore_mem>>) src(%dma_wait3A_23 : memref<64x128xf32, #tpu.memory_space<hbm>>) dst(%arg9 : memref<64x128xf32, #tpu.memory_space<vmem>>)
    %dma_start3A_24 = arith.constant 0 : i32
    %dma_start3A_25 = arith.constant 0 : i32
    %dma_start3A_26 = tpu.memref_slice %arg6[%dma_start3A_24, %dma_start3A_25] : memref<4096x128xf32, #tpu.memory_space<hbm>> -> memref<4096x128xf32, #tpu.memory_space<hbm>>
    tpu.enqueue_indirect_dma source(%arg9 : memref<64x128xf32, #tpu.memory_space<vmem>>) target(%dma_start3A_26 : memref<4096x128xf32, #tpu.memory_space<hbm>>) offsets(%arg7 : memref<64xi32, #tpu.memory_space<vmem>>) semaphore(%arg11 : memref<!tpu.dma_semaphore, #tpu.memory_space<semaphore_mem>>)
    %dma_wait3A_27 = arith.constant 0 : i32
    %dma_wait3A_28 = arith.constant 0 : i32
    %dma_wait3A_29 = tpu.memref_slice %arg5[%dma_wait3A_27, %dma_wait3A_28] : memref<4096x768xf32, #tpu.memory_space<hbm>> -> memref<4096x768xf32, #tpu.memory_space<hbm>>
    tpu.wait_indirect_dma semaphore(%arg10 : memref<!tpu.dma_semaphore, #tpu.memory_space<semaphore_mem>>) src(%arg8 : memref<64x768xf32, #tpu.memory_space<vmem>>) dst(%dma_wait3A_29 : memref<4096x768xf32, #tpu.memory_space<hbm>>)
    %dma_wait3A_30 = arith.constant 0 : i32
    %dma_wait3A_31 = arith.constant 0 : i32
    %dma_wait3A_32 = tpu.memref_slice %arg6[%dma_wait3A_30, %dma_wait3A_31] : memref<4096x128xf32, #tpu.memory_space<hbm>> -> memref<4096x128xf32, #tpu.memory_space<hbm>>
    tpu.wait_indirect_dma semaphore(%arg11 : memref<!tpu.dma_semaphore, #tpu.memory_space<semaphore_mem>>) src(%arg9 : memref<64x128xf32, #tpu.memory_space<vmem>>) dst(%dma_wait3A_32 : memref<4096x128xf32, #tpu.memory_space<hbm>>)
    return
  }
}

#map = affine_map<(d0, d1) -> (0, 0)>
#map1 = affine_map<(d0, d1) -> (0)>
module attributes {stable_mosaic.version = 14 : i64} {
  func.func @_combine_body(%arg0: i32, %arg1: i32, %arg2: memref<4096x768xf32, #tpu.memory_space<hbm>>, %arg3: memref<2048xi32, #tpu.memory_space<hbm>>, %arg4: memref<2048x768xf32, #tpu.memory_space<hbm>>, %arg5: memref<64xi32, #tpu.memory_space<vmem>>, %arg6: memref<64x768xf32, #tpu.memory_space<vmem>>, %arg7: memref<!tpu.dma_semaphore, #tpu.memory_space<semaphore_mem>>) attributes {dimension_semantics = [#tpu.dimension_semantics<core_parallel>, #tpu.dimension_semantics<subcore_parallel>], iteration_bounds = array<i64: 2, 16>, scalar_prefetch = 0 : i64, scratch_operands = 3 : i64, tpu.core_type = #tpu.core_type<sc_vector_subcore>, window_params = [{transform_indices = #map}, {transform_indices = #map1}, {transform_indices = #map}]} {
    %mul3A = arith.constant 2 : i32
    %mul3A_0 = arith.muli %arg1, %mul3A : i32
    %add3A = arith.addi %mul3A_0, %arg0 : i32
    %mul3A_1 = arith.constant 64 : i32
    %mul3A_2 = arith.muli %add3A, %mul3A_1 : i32
    "tpu.region"() ({
      %run_scoped3A = tpu.sem_alloc : memref<!tpu.dma_semaphore, #tpu.memory_space<semaphore_mem>>
      %dma_start3A_7 = tpu.memref_slice %arg3[%mul3A_2] : memref<2048xi32, #tpu.memory_space<hbm>> -> memref<64xi32, #tpu.memory_space<hbm>>
      %dma_start3A_8 = tpu.memref_slice %arg3[%mul3A_2] : memref<2048xi32, #tpu.memory_space<hbm>> -> memref<64xi32, #tpu.memory_space<hbm>>
      tpu.enqueue_dma source(%dma_start3A_8 : memref<64xi32, #tpu.memory_space<hbm>>) target(%arg5 : memref<64xi32, #tpu.memory_space<vmem>>) target_semaphore(%run_scoped3A : memref<!tpu.dma_semaphore, #tpu.memory_space<semaphore_mem>>)
      %dma_wait3A_9 = tpu.memref_slice %arg3[%mul3A_2] : memref<2048xi32, #tpu.memory_space<hbm>> -> memref<64xi32, #tpu.memory_space<hbm>>
      %dma_wait3A_10 = tpu.memref_slice %arg3[%mul3A_2] : memref<2048xi32, #tpu.memory_space<hbm>> -> memref<64xi32, #tpu.memory_space<hbm>>
      tpu.wait_dma2 semaphore(%run_scoped3A : memref<!tpu.dma_semaphore, #tpu.memory_space<semaphore_mem>>) src(%dma_wait3A_10 : memref<64xi32, #tpu.memory_space<hbm>>) dst(%arg5 : memref<64xi32, #tpu.memory_space<vmem>>)
      tpu.yield
    }) : () -> ()
    %dma_start3A = arith.constant 0 : i32
    %dma_start3A_3 = arith.constant 0 : i32
    %dma_start3A_4 = tpu.memref_slice %arg2[%dma_start3A, %dma_start3A_3] : memref<4096x768xf32, #tpu.memory_space<hbm>> -> memref<4096x768xf32, #tpu.memory_space<hbm>>
    tpu.enqueue_indirect_dma source(%dma_start3A_4 : memref<4096x768xf32, #tpu.memory_space<hbm>>) target(%arg6 : memref<64x768xf32, #tpu.memory_space<vmem>>) offsets(%arg5 : memref<64xi32, #tpu.memory_space<vmem>>) semaphore(%arg7 : memref<!tpu.dma_semaphore, #tpu.memory_space<semaphore_mem>>)
    %dma_wait3A = arith.constant 0 : i32
    %dma_wait3A_5 = arith.constant 0 : i32
    %dma_wait3A_6 = tpu.memref_slice %arg2[%dma_wait3A, %dma_wait3A_5] : memref<4096x768xf32, #tpu.memory_space<hbm>> -> memref<4096x768xf32, #tpu.memory_space<hbm>>
    tpu.wait_indirect_dma semaphore(%arg7 : memref<!tpu.dma_semaphore, #tpu.memory_space<semaphore_mem>>) src(%dma_wait3A_6 : memref<4096x768xf32, #tpu.memory_space<hbm>>) dst(%arg6 : memref<64x768xf32, #tpu.memory_space<vmem>>)
    "tpu.region"() ({
      %run_scoped3A = tpu.sem_alloc : memref<!tpu.dma_semaphore, #tpu.memory_space<semaphore_mem>>
      %dma_start3A_7 = arith.constant 0 : i32
      %dma_start3A_8 = tpu.memref_slice %arg4[%mul3A_2, %dma_start3A_7] : memref<2048x768xf32, #tpu.memory_space<hbm>> -> memref<64x768xf32, #tpu.memory_space<hbm>>
      %dma_start3A_9 = arith.constant 0 : i32
      %dma_start3A_10 = tpu.memref_slice %arg4[%mul3A_2, %dma_start3A_9] : memref<2048x768xf32, #tpu.memory_space<hbm>> -> memref<64x768xf32, #tpu.memory_space<hbm>>
      tpu.enqueue_dma source(%arg6 : memref<64x768xf32, #tpu.memory_space<vmem>>) target(%dma_start3A_10 : memref<64x768xf32, #tpu.memory_space<hbm>>) target_semaphore(%run_scoped3A : memref<!tpu.dma_semaphore, #tpu.memory_space<semaphore_mem>>)
      %dma_wait3A_11 = arith.constant 0 : i32
      %dma_wait3A_12 = tpu.memref_slice %arg4[%mul3A_2, %dma_wait3A_11] : memref<2048x768xf32, #tpu.memory_space<hbm>> -> memref<64x768xf32, #tpu.memory_space<hbm>>
      %dma_wait3A_13 = arith.constant 0 : i32
      %dma_wait3A_14 = tpu.memref_slice %arg4[%mul3A_2, %dma_wait3A_13] : memref<2048x768xf32, #tpu.memory_space<hbm>> -> memref<64x768xf32, #tpu.memory_space<hbm>>
      tpu.wait_dma2 semaphore(%run_scoped3A : memref<!tpu.dma_semaphore, #tpu.memory_space<semaphore_mem>>) src(%arg6 : memref<64x768xf32, #tpu.memory_space<vmem>>) dst(%dma_wait3A_14 : memref<64x768xf32, #tpu.memory_space<hbm>>)
      tpu.yield
    }) : () -> ()
    return
  }
}

module attributes {stable_mosaic.version = 14 : i64} {
  func.func @_glu_body(%arg0: i32, %arg1: memref<2x32xi32, #tpu.memory_space<smem>>, %arg2: memref<128x768xf32, #tpu.memory_space<vmem>>, %arg3: memref<128x128xf32, #tpu.memory_space<vmem>>, %arg4: memref<1x768x1536xf32, #tpu.memory_space<vmem>>, %arg5: memref<1x768x1536xf32, #tpu.memory_space<vmem>>, %arg6: memref<1x1536x768xf32, #tpu.memory_space<vmem>>, %arg7: memref<128x768xf32, #tpu.memory_space<vmem>>) attributes {dimension_semantics = [#tpu.dimension_semantics<arbitrary>], iteration_bounds = array<i64: 32>, scalar_prefetch = 1 : i64, scratch_operands = 0 : i64, tpu.core_type = #tpu.core_type<tc>, window_params = [{transform_indices = @transform_0, window_bounds = array<i64: 128, 768>}, {transform_indices = @transform_1, window_bounds = array<i64: 128, 128>}, {transform_indices = @transform_2, window_bounds = array<i64: 1, 768, 1536>}, {transform_indices = @transform_3, window_bounds = array<i64: 1, 768, 1536>}, {transform_indices = @transform_4, window_bounds = array<i64: 1, 1536, 768>}, {transform_indices = @transform_5, window_bounds = array<i64: 128, 768>}]} {
    %get3A = arith.constant 0 : index
    %get3A_0 = arith.constant 0 : index
    %get3A_1 = vector.load %arg2[%get3A, %get3A_0] : memref<128x768xf32, #tpu.memory_space<vmem>>, vector<128x768xf32>
    %convert_element_type3A = arith.truncf %get3A_1 : vector<128x768xf32> to vector<128x768xbf16>
    %get3A_2 = arith.constant 0 : index
    %get3A_3 = arith.constant 0 : index
    %get3A_4 = arith.constant 0 : index
    %get3A_5 = vector.load %arg4[%get3A_2, %get3A_3, %get3A_4] : memref<1x768x1536xf32, #tpu.memory_space<vmem>>, vector<1x768x1536xf32>
    %get3A_6 = vector.shape_cast %get3A_5 : vector<1x768x1536xf32> to vector<768x1536xf32>
    %convert_element_type3A_7 = arith.truncf %get3A_6 : vector<768x1536xf32> to vector<768x1536xbf16>
    %dot_general3A = arith.constant dense<0.000000e+00> : vector<128x1536xf32>
    %dot_general3A_8 = tpu.matmul %convert_element_type3A, %convert_element_type3A_7, %dot_general3A {dimension_numbers = #tpu.dot_dimension_numbers<[1], [0], [0], [1], [0, 0, 1, 1], [], []>, transpose_lhs_hint = false} : vector<128x768xbf16>, vector<768x1536xbf16>, vector<128x1536xf32> -> vector<128x1536xf32>
    %get3A_9 = arith.constant 0 : index
    %get3A_10 = arith.constant 0 : index
    %get3A_11 = arith.constant 0 : index
    %get3A_12 = vector.load %arg5[%get3A_9, %get3A_10, %get3A_11] : memref<1x768x1536xf32, #tpu.memory_space<vmem>>, vector<1x768x1536xf32>
    %get3A_13 = vector.shape_cast %get3A_12 : vector<1x768x1536xf32> to vector<768x1536xf32>
    %convert_element_type3A_14 = arith.truncf %get3A_13 : vector<768x1536xf32> to vector<768x1536xbf16>
    %dot_general3A_15 = arith.constant dense<0.000000e+00> : vector<128x1536xf32>
    %dot_general3A_16 = tpu.matmul %convert_element_type3A, %convert_element_type3A_14, %dot_general3A_15 {dimension_numbers = #tpu.dot_dimension_numbers<[1], [0], [0], [1], [0, 0, 1, 1], [], []>, transpose_lhs_hint = false} : vector<128x768xbf16>, vector<768x1536xbf16>, vector<128x1536xf32> -> vector<128x1536xf32>
    %logistic3A = arith.negf %dot_general3A_8 : vector<128x1536xf32>
    %logistic3A_17 = math.exp %logistic3A : vector<128x1536xf32>
    %logistic3A_18 = arith.constant 1.000000e+00 : f32
    %logistic3A_19 = vector.broadcast %logistic3A_18 : f32 to vector<128x1536xf32>
    %logistic3A_20 = arith.addf %logistic3A_19, %logistic3A_17 : vector<128x1536xf32>
    %logistic3A_21 = arith.divf %logistic3A_19, %logistic3A_20 : vector<128x1536xf32>
    %mul3A = arith.mulf %dot_general3A_8, %logistic3A_21 : vector<128x1536xf32>
    %mul3A_22 = arith.mulf %mul3A, %dot_general3A_16 : vector<128x1536xf32>
    %convert_element_type3A_23 = arith.truncf %mul3A_22 : vector<128x1536xf32> to vector<128x1536xbf16>
    %get3A_24 = arith.constant 0 : index
    %get3A_25 = arith.constant 0 : index
    %get3A_26 = arith.constant 0 : index
    %get3A_27 = vector.load %arg6[%get3A_24, %get3A_25, %get3A_26] : memref<1x1536x768xf32, #tpu.memory_space<vmem>>, vector<1x1536x768xf32>
    %get3A_28 = vector.shape_cast %get3A_27 : vector<1x1536x768xf32> to vector<1536x768xf32>
    %convert_element_type3A_29 = arith.truncf %get3A_28 : vector<1536x768xf32> to vector<1536x768xbf16>
    %dot_general3A_30 = arith.constant dense<0.000000e+00> : vector<128x768xf32>
    %dot_general3A_31 = tpu.matmul %convert_element_type3A_23, %convert_element_type3A_29, %dot_general3A_30 {dimension_numbers = #tpu.dot_dimension_numbers<[1], [0], [0], [1], [0, 0, 1, 1], [], []>, transpose_lhs_hint = false} : vector<128x1536xbf16>, vector<1536x768xbf16>, vector<128x768xf32> -> vector<128x768xf32>
    %get3A_32 = arith.constant 0 : index
    %get3A_33 = arith.constant 0 : index
    %get3A_34 = vector.load %arg3[%get3A_32, %get3A_33] : memref<128x128xf32, #tpu.memory_space<vmem>>, vector<128x1xf32>
    %mul3A_35 = vector.broadcast %get3A_34 : vector<128x1xf32> to vector<128x768xf32>
    %mul3A_36 = arith.mulf %dot_general3A_31, %mul3A_35 : vector<128x768xf32>
    %swap3A = arith.constant 0 : index
    %swap3A_37 = arith.constant 0 : index
    %swap3A_38 = vector.load %arg7[%swap3A, %swap3A_37] : memref<128x768xf32, #tpu.memory_space<vmem>>, vector<128x768xf32>
    tpu.vector_store %arg7[%swap3A, %swap3A_37], %mul3A_36 {strides = array<i32>} : memref<128x768xf32, #tpu.memory_space<vmem>>, vector<128x768xf32>,
    return
  }
  func.func @transform_0(%arg0: i32, %arg1: memref<2x32xi32, #tpu.memory_space<smem>>) -> (i32, i32) {
    %get3A = arith.constant 1 : index
    %get3A_0 = arith.index_cast %arg0 : i32 to index
    %get3A_1 = memref.load %arg1[%get3A, %get3A_0] : memref<2x32xi32, #tpu.memory_space<smem>>
    %c0_i32 = arith.constant 0 : i32
    %c0_i32_2 = arith.constant 0 : i32
    return %get3A_1, %c0_i32 : i32, i32
  }
  func.func @transform_1(%arg0: i32, %arg1: memref<2x32xi32, #tpu.memory_space<smem>>) -> (i32, i32) {
    %get3A = arith.constant 1 : index
    %get3A_0 = arith.index_cast %arg0 : i32 to index
    %get3A_1 = memref.load %arg1[%get3A, %get3A_0] : memref<2x32xi32, #tpu.memory_space<smem>>
    %c0_i32 = arith.constant 0 : i32
    %c0_i32_2 = arith.constant 0 : i32
    return %get3A_1, %c0_i32 : i32, i32
  }
  func.func @transform_2(%arg0: i32, %arg1: memref<2x32xi32, #tpu.memory_space<smem>>) -> (i32, i32, i32) {
    %get3A = arith.constant 0 : index
    %get3A_0 = arith.index_cast %arg0 : i32 to index
    %get3A_1 = memref.load %arg1[%get3A, %get3A_0] : memref<2x32xi32, #tpu.memory_space<smem>>
    %c0_i32 = arith.constant 0 : i32
    %c0_i32_2 = arith.constant 0 : i32
    %c0_i32_3 = arith.constant 0 : i32
    return %get3A_1, %c0_i32, %c0_i32_2 : i32, i32, i32
  }
  func.func @transform_3(%arg0: i32, %arg1: memref<2x32xi32, #tpu.memory_space<smem>>) -> (i32, i32, i32) {
    %get3A = arith.constant 0 : index
    %get3A_0 = arith.index_cast %arg0 : i32 to index
    %get3A_1 = memref.load %arg1[%get3A, %get3A_0] : memref<2x32xi32, #tpu.memory_space<smem>>
    %c0_i32 = arith.constant 0 : i32
    %c0_i32_2 = arith.constant 0 : i32
    %c0_i32_3 = arith.constant 0 : i32
    return %get3A_1, %c0_i32, %c0_i32_2 : i32, i32, i32
  }
  func.func @transform_4(%arg0: i32, %arg1: memref<2x32xi32, #tpu.memory_space<smem>>) -> (i32, i32, i32) {
    %get3A = arith.constant 0 : index
    %get3A_0 = arith.index_cast %arg0 : i32 to index
    %get3A_1 = memref.load %arg1[%get3A, %get3A_0] : memref<2x32xi32, #tpu.memory_space<smem>>
    %c0_i32 = arith.constant 0 : i32
    %c0_i32_2 = arith.constant 0 : i32
    %c0_i32_3 = arith.constant 0 : i32
    return %get3A_1, %c0_i32, %c0_i32_2 : i32, i32, i32
  }
  func.func @transform_5(%arg0: i32, %arg1: memref<2x32xi32, #tpu.memory_space<smem>>) -> (i32, i32) {
    %get3A = arith.constant 1 : index
    %get3A_0 = arith.index_cast %arg0 : i32 to index
    %get3A_1 = memref.load %arg1[%get3A, %get3A_0] : memref<2x32xi32, #tpu.memory_space<smem>>
    %c0_i32 = arith.constant 0 : i32
    %c0_i32_2 = arith.constant 0 : i32
    return %get3A_1, %c0_i32 : i32, i32
  }
}

module attributes {stable_mosaic.version = 14 : i64} {
  func.func @_router_body(%arg0: memref<2048x768xf32, #tpu.memory_space<vmem>>, %arg1: memref<768x16xf32, #tpu.memory_space<vmem>>, %arg2: memref<1x16xf32, #tpu.memory_space<vmem>>, %arg3: memref<1x2048xi32, #tpu.memory_space<vmem>>, %arg4: memref<2048x128xf32, #tpu.memory_space<vmem>>, %arg5: memref<2x32xi32, #tpu.memory_space<vmem>>) attributes {dimension_semantics = [], scalar_prefetch = 0 : i64, scratch_operands = 0 : i64, tpu.core_type = #tpu.core_type<tc>} {
    %get3A = arith.constant 0 : index
    %get3A_0 = arith.constant 0 : index
    %get3A_1 = vector.load %arg0[%get3A, %get3A_0] : memref<2048x768xf32, #tpu.memory_space<vmem>>, vector<2048x768xf32>
    %get3A_2 = arith.constant 0 : index
    %get3A_3 = arith.constant 0 : index
    %get3A_4 = vector.load %arg1[%get3A_2, %get3A_3] : memref<768x16xf32, #tpu.memory_space<vmem>>, vector<768x16xf32>
    %dot_general3A = arith.constant dense<0.000000e+00> : vector<2048x16xf32>
    %dot_general3A_5 = tpu.matmul %get3A_1, %get3A_4, %dot_general3A {dimension_numbers = #tpu.dot_dimension_numbers<[1], [0], [0], [1], [0, 0, 1, 1], [], []>, transpose_lhs_hint = false} : vector<2048x768xf32>, vector<768x16xf32>, vector<2048x16xf32> -> vector<2048x16xf32>
    %get3A_6 = arith.constant 0 : index
    %get3A_7 = arith.constant 0 : index
    %get3A_8 = vector.load %arg2[%get3A_6, %get3A_7] : memref<1x16xf32, #tpu.memory_space<vmem>>, vector<1x16xf32>
    %add3A = vector.broadcast %get3A_8 : vector<1x16xf32> to vector<2048x16xf32>
    %add3A_9 = arith.addf %dot_general3A_5, %add3A : vector<2048x16xf32>
    %reduce_max3A = arith.constant dense<0xFF800000> : vector<2048xf32>
    %reduce_max3A_10 = vector.multi_reduction <maximumf>, %add3A_9, %reduce_max3A [1] : vector<2048x16xf32> to vector<2048xf32>
    %broadcast_in_dim3A = vector.shape_cast %reduce_max3A_10 : vector<2048xf32> to vector<2048x1xf32>
    %iota3A = tpu.iota {dimensions = array<i32: 1>} : vector<2048x16xi32>
    %eq3A = vector.broadcast %broadcast_in_dim3A : vector<2048x1xf32> to vector<2048x16xf32>
    %eq3A_11 = arith.cmpf oeq, %add3A_9, %eq3A : vector<2048x16xf32>
    %jit3A = arith.constant 16 : i32
    %broadcast_in_dim3A_12 = vector.broadcast %jit3A : i32 to vector<2048x16xi32>
    %select_n3A = arith.select %eq3A_11, %iota3A, %broadcast_in_dim3A_12 : vector<2048x16xi1>, vector<2048x16xi32>
    %reduce_min3A = arith.constant dense<2147483647> : vector<2048xi32>
    %reduce_min3A_13 = vector.multi_reduction <minsi>, %select_n3A, %reduce_min3A [1] : vector<2048x16xi32> to vector<2048xi32>
    %broadcast_in_dim3A_14 = vector.shape_cast %reduce_min3A_13 : vector<2048xi32> to vector<2048x1xi32>
    %logistic3A = arith.negf %broadcast_in_dim3A : vector<2048x1xf32>
    %logistic3A_15 = math.exp %logistic3A : vector<2048x1xf32>
    %logistic3A_16 = arith.constant 1.000000e+00 : f32
    %logistic3A_17 = vector.broadcast %logistic3A_16 : f32 to vector<2048x1xf32>
    %logistic3A_18 = arith.addf %logistic3A_17, %logistic3A_15 : vector<2048x1xf32>
    %logistic3A_19 = arith.divf %logistic3A_17, %logistic3A_18 : vector<2048x1xf32>
    %add3A_20 = arith.constant 1.000000e-10 : f32
    %add3A_21 = vector.broadcast %add3A_20 : f32 to vector<2048x1xf32>
    %add3A_22 = arith.addf %logistic3A_19, %add3A_21 : vector<2048x1xf32>
    %div3A = arith.divf %logistic3A_19, %add3A_22 : vector<2048x1xf32>
    %eq3A_23 = vector.broadcast %broadcast_in_dim3A_14 : vector<2048x1xi32> to vector<2048x16xi32>
    %eq3A_24 = arith.cmpi eq, %iota3A, %eq3A_23 : vector<2048x16xi32>
    %convert_element_type3A = arith.extui %eq3A_24 : vector<2048x16xi1> to vector<2048x16xi32>
    %convert_element_type3A_25 = arith.sitofp %convert_element_type3A : vector<2048x16xi32> to vector<2048x16xf32>
    %transpose3A = tpu.transpose %convert_element_type3A_25, [1, 0] : vector<2048x16xf32> -> vector<16x2048xf32>
    %broadcast_in_dim3A_26 = arith.constant 0.000000e+00 : f32
    %broadcast_in_dim3A_27 = vector.broadcast %broadcast_in_dim3A_26 : f32 to vector<16x1xf32>
    %slice3A = vector.extract_strided_slice %transpose3A {offsets = [0, 0], sizes = [16, 2047], strides = [1, 1]} : vector<16x2048xf32> to vector<16x2047xf32>
    %concatenate3A = tpu.concatenate %broadcast_in_dim3A_27, %slice3A in 1 : vector<16x1xf32>, vector<16x2047xf32> -> vector<16x2048xf32>
    %add3A_28 = arith.addf %transpose3A, %concatenate3A : vector<16x2048xf32>
    %broadcast_in_dim3A_29 = arith.constant 0.000000e+00 : f32
    %broadcast_in_dim3A_30 = vector.broadcast %broadcast_in_dim3A_29 : f32 to vector<16x2xf32>
    %slice3A_31 = vector.extract_strided_slice %add3A_28 {offsets = [0, 0], sizes = [16, 2046], strides = [1, 1]} : vector<16x2048xf32> to vector<16x2046xf32>
    %concatenate3A_32 = tpu.concatenate %broadcast_in_dim3A_30, %slice3A_31 in 1 : vector<16x2xf32>, vector<16x2046xf32> -> vector<16x2048xf32>
    %add3A_33 = arith.addf %add3A_28, %concatenate3A_32 : vector<16x2048xf32>
    %broadcast_in_dim3A_34 = arith.constant 0.000000e+00 : f32
    %broadcast_in_dim3A_35 = vector.broadcast %broadcast_in_dim3A_34 : f32 to vector<16x4xf32>
    %slice3A_36 = vector.extract_strided_slice %add3A_33 {offsets = [0, 0], sizes = [16, 2044], strides = [1, 1]} : vector<16x2048xf32> to vector<16x2044xf32>
    %concatenate3A_37 = tpu.concatenate %broadcast_in_dim3A_35, %slice3A_36 in 1 : vector<16x4xf32>, vector<16x2044xf32> -> vector<16x2048xf32>
    %add3A_38 = arith.addf %add3A_33, %concatenate3A_37 : vector<16x2048xf32>
    %broadcast_in_dim3A_39 = arith.constant 0.000000e+00 : f32
    %broadcast_in_dim3A_40 = vector.broadcast %broadcast_in_dim3A_39 : f32 to vector<16x8xf32>
    %slice3A_41 = vector.extract_strided_slice %add3A_38 {offsets = [0, 0], sizes = [16, 2040], strides = [1, 1]} : vector<16x2048xf32> to vector<16x2040xf32>
    %concatenate3A_42 = tpu.concatenate %broadcast_in_dim3A_40, %slice3A_41 in 1 : vector<16x8xf32>, vector<16x2040xf32> -> vector<16x2048xf32>
    %add3A_43 = arith.addf %add3A_38, %concatenate3A_42 : vector<16x2048xf32>
    %broadcast_in_dim3A_44 = arith.constant 0.000000e+00 : f32
    %broadcast_in_dim3A_45 = vector.broadcast %broadcast_in_dim3A_44 : f32 to vector<16x16xf32>
    %slice3A_46 = vector.extract_strided_slice %add3A_43 {offsets = [0, 0], sizes = [16, 2032], strides = [1, 1]} : vector<16x2048xf32> to vector<16x2032xf32>
    %concatenate3A_47 = tpu.concatenate %broadcast_in_dim3A_45, %slice3A_46 in 1 : vector<16x16xf32>, vector<16x2032xf32> -> vector<16x2048xf32>
    %add3A_48 = arith.addf %add3A_43, %concatenate3A_47 : vector<16x2048xf32>
    %broadcast_in_dim3A_49 = arith.constant 0.000000e+00 : f32
    %broadcast_in_dim3A_50 = vector.broadcast %broadcast_in_dim3A_49 : f32 to vector<16x32xf32>
    %slice3A_51 = vector.extract_strided_slice %add3A_48 {offsets = [0, 0], sizes = [16, 2016], strides = [1, 1]} : vector<16x2048xf32> to vector<16x2016xf32>
    %concatenate3A_52 = tpu.concatenate %broadcast_in_dim3A_50, %slice3A_51 in 1 : vector<16x32xf32>, vector<16x2016xf32> -> vector<16x2048xf32>
    %add3A_53 = arith.addf %add3A_48, %concatenate3A_52 : vector<16x2048xf32>
    %broadcast_in_dim3A_54 = arith.constant 0.000000e+00 : f32
    %broadcast_in_dim3A_55 = vector.broadcast %broadcast_in_dim3A_54 : f32 to vector<16x64xf32>
    %slice3A_56 = vector.extract_strided_slice %add3A_53 {offsets = [0, 0], sizes = [16, 1984], strides = [1, 1]} : vector<16x2048xf32> to vector<16x1984xf32>
    %concatenate3A_57 = tpu.concatenate %broadcast_in_dim3A_55, %slice3A_56 in 1 : vector<16x64xf32>, vector<16x1984xf32> -> vector<16x2048xf32>
    %add3A_58 = arith.addf %add3A_53, %concatenate3A_57 : vector<16x2048xf32>
    %broadcast_in_dim3A_59 = arith.constant 0.000000e+00 : f32
    %broadcast_in_dim3A_60 = vector.broadcast %broadcast_in_dim3A_59 : f32 to vector<16x128xf32>
    %slice3A_61 = vector.extract_strided_slice %add3A_58 {offsets = [0, 0], sizes = [16, 1920], strides = [1, 1]} : vector<16x2048xf32> to vector<16x1920xf32>
    %concatenate3A_62 = tpu.concatenate %broadcast_in_dim3A_60, %slice3A_61 in 1 : vector<16x128xf32>, vector<16x1920xf32> -> vector<16x2048xf32>
    %add3A_63 = arith.addf %add3A_58, %concatenate3A_62 : vector<16x2048xf32>
    %broadcast_in_dim3A_64 = arith.constant 0.000000e+00 : f32
    %broadcast_in_dim3A_65 = vector.broadcast %broadcast_in_dim3A_64 : f32 to vector<16x256xf32>
    %slice3A_66 = vector.extract_strided_slice %add3A_63 {offsets = [0, 0], sizes = [16, 1792], strides = [1, 1]} : vector<16x2048xf32> to vector<16x1792xf32>
    %concatenate3A_67 = tpu.concatenate %broadcast_in_dim3A_65, %slice3A_66 in 1 : vector<16x256xf32>, vector<16x1792xf32> -> vector<16x2048xf32>
    %add3A_68 = arith.addf %add3A_63, %concatenate3A_67 : vector<16x2048xf32>
    %broadcast_in_dim3A_69 = arith.constant 0.000000e+00 : f32
    %broadcast_in_dim3A_70 = vector.broadcast %broadcast_in_dim3A_69 : f32 to vector<16x512xf32>
    %slice3A_71 = vector.extract_strided_slice %add3A_68 {offsets = [0, 0], sizes = [16, 1536], strides = [1, 1]} : vector<16x2048xf32> to vector<16x1536xf32>
    %concatenate3A_72 = tpu.concatenate %broadcast_in_dim3A_70, %slice3A_71 in 1 : vector<16x512xf32>, vector<16x1536xf32> -> vector<16x2048xf32>
    %add3A_73 = arith.addf %add3A_68, %concatenate3A_72 : vector<16x2048xf32>
    %broadcast_in_dim3A_74 = arith.constant 0.000000e+00 : f32
    %broadcast_in_dim3A_75 = vector.broadcast %broadcast_in_dim3A_74 : f32 to vector<16x1024xf32>
    %slice3A_76 = vector.extract_strided_slice %add3A_73 {offsets = [0, 0], sizes = [16, 1024], strides = [1, 1]} : vector<16x2048xf32> to vector<16x1024xf32>
    %concatenate3A_77 = tpu.concatenate %broadcast_in_dim3A_75, %slice3A_76 in 1 : vector<16x1024xf32>, vector<16x1024xf32> -> vector<16x2048xf32>
    %add3A_78 = arith.addf %add3A_73, %concatenate3A_77 : vector<16x2048xf32>
    %mul3A = arith.mulf %transpose3A, %add3A_78 : vector<16x2048xf32>
    %reduce_sum3A = arith.constant dense<0.000000e+00> : vector<2048xf32>
    %reduce_sum3A_79 = vector.multi_reduction <add>, %mul3A, %reduce_sum3A [0] : vector<16x2048xf32> to vector<2048xf32>
    %broadcast_in_dim3A_80 = vector.shape_cast %reduce_sum3A_79 : vector<2048xf32> to vector<1x2048xf32>
    %sub3A = arith.constant 1.000000e+00 : f32
    %sub3A_81 = vector.broadcast %sub3A : f32 to vector<1x2048xf32>
    %sub3A_82 = arith.subf %broadcast_in_dim3A_80, %sub3A_81 : vector<1x2048xf32>
    %slice3A_83 = vector.extract_strided_slice %add3A_78 {offsets = [0, 2047], sizes = [16, 1], strides = [1, 1]} : vector<16x2048xf32> to vector<16x1xf32>
    %add3A_84 = arith.constant 1.270000e+02 : f32
    %add3A_85 = vector.broadcast %add3A_84 : f32 to vector<16x1xf32>
    %add3A_86 = arith.addf %slice3A_83, %add3A_85 : vector<16x1xf32>
    %mul3A_87 = arith.constant 7.812500e-03 : f32
    %mul3A_88 = vector.broadcast %mul3A_87 : f32 to vector<16x1xf32>
    %mul3A_89 = arith.mulf %add3A_86, %mul3A_88 : vector<16x1xf32>
    %floor3A = math.floor %mul3A_89 : vector<16x1xf32>
    %iota3A_90 = tpu.iota {dimensions = array<i32: 0>} : vector<16x16xi32>
    %iota3A_91 = tpu.iota {dimensions = array<i32: 1>} : vector<16x16xi32>
    %lt3A = arith.cmpi slt, %iota3A_91, %iota3A_90 : vector<16x16xi32>
    %convert_element_type3A_92 = arith.extui %lt3A : vector<16x16xi1> to vector<16x16xi32>
    %convert_element_type3A_93 = arith.sitofp %convert_element_type3A_92 : vector<16x16xi32> to vector<16x16xf32>
    %dot_general3A_94 = arith.constant dense<0.000000e+00> : vector<16x1xf32>
    %dot_general3A_95 = tpu.matmul %convert_element_type3A_93, %floor3A, %dot_general3A_94 {dimension_numbers = #tpu.dot_dimension_numbers<[1], [0], [0], [1], [0, 0, 1, 1], [], []>, transpose_lhs_hint = false} : vector<16x16xf32>, vector<16x1xf32>, vector<16x1xf32> -> vector<16x1xf32>
    %reduce_sum3A_96 = arith.constant dense<0.000000e+00> : vector<1xf32>
    %reduce_sum3A_97 = vector.multi_reduction <add>, %floor3A, %reduce_sum3A_96 [0] : vector<16x1xf32> to vector<1xf32>
    %broadcast_in_dim3A_98 = vector.shape_cast %reduce_sum3A_97 : vector<1xf32> to vector<1x1xf32>
    %mul3A_99 = vector.broadcast %dot_general3A_95 : vector<16x1xf32> to vector<16x2048xf32>
    %mul3A_100 = arith.mulf %transpose3A, %mul3A_99 : vector<16x2048xf32>
    %reduce_sum3A_101 = arith.constant dense<0.000000e+00> : vector<2048xf32>
    %reduce_sum3A_102 = vector.multi_reduction <add>, %mul3A_100, %reduce_sum3A_101 [0] : vector<16x2048xf32> to vector<2048xf32>
    %broadcast_in_dim3A_103 = vector.shape_cast %reduce_sum3A_102 : vector<2048xf32> to vector<1x2048xf32>
    %mul3A_104 = arith.constant 1.280000e+02 : f32
    %mul3A_105 = vector.broadcast %mul3A_104 : f32 to vector<1x2048xf32>
    %mul3A_106 = arith.mulf %broadcast_in_dim3A_103, %mul3A_105 : vector<1x2048xf32>
    %add3A_107 = arith.addf %mul3A_106, %sub3A_82 : vector<1x2048xf32>
    %convert_element_type3A_108 = arith.fptosi %add3A_107 : vector<1x2048xf32> to vector<1x2048xi32>
    %swap3A = arith.constant 0 : index
    %swap3A_109 = arith.constant 0 : index
    %swap3A_110 = vector.load %arg3[%swap3A, %swap3A_109] : memref<1x2048xi32, #tpu.memory_space<vmem>>, vector<1x2048xi32>
    tpu.vector_store %arg3[%swap3A, %swap3A_109], %convert_element_type3A_108 {strides = array<i32>} : memref<1x2048xi32, #tpu.memory_space<vmem>>, vector<1x2048xi32>,
    %broadcast_in_dim3A_111 = vector.shape_cast %div3A : vector<2048x1xf32> to vector<2048x1xf32>
    %broadcast_in_dim3A_112 = vector.broadcast %broadcast_in_dim3A_111 : vector<2048x1xf32> to vector<2048x128xf32>
    %swap3A_113 = arith.constant 0 : index
    %swap3A_114 = arith.constant 0 : index
    %swap3A_115 = vector.load %arg4[%swap3A_113, %swap3A_114] : memref<2048x128xf32, #tpu.memory_space<vmem>>, vector<2048x128xf32>
    tpu.vector_store %arg4[%swap3A_113, %swap3A_114], %broadcast_in_dim3A_112 {strides = array<i32>} : memref<2048x128xf32, #tpu.memory_space<vmem>>, vector<2048x128xf32>,
    %iota3A_116 = tpu.iota {dimensions = array<i32: 1>} : vector<1x32xi32>
    %convert_element_type3A_117 = arith.sitofp %iota3A_116 : vector<1x32xi32> to vector<1x32xf32>
    %sub3A_118 = arith.constant 1.000000e+00 : f32
    %sub3A_119 = vector.broadcast %sub3A_118 : f32 to vector<1x1xf32>
    %sub3A_120 = arith.subf %broadcast_in_dim3A_98, %sub3A_119 : vector<1x1xf32>
    %min3A = vector.broadcast %sub3A_120 : vector<1x1xf32> to vector<1x32xf32>
    %min3A_121 = arith.minimumf %convert_element_type3A_117, %min3A : vector<1x32xf32>
    %le3A = vector.broadcast %dot_general3A_95 : vector<16x1xf32> to vector<16x32xf32>
    %le3A_122 = vector.broadcast %min3A_121 : vector<1x32xf32> to vector<16x32xf32>
    %le3A_123 = arith.cmpf ole, %le3A, %le3A_122 : vector<16x32xf32>
    %convert_element_type3A_124 = arith.extui %le3A_123 : vector<16x32xi1> to vector<16x32xi32>
    %convert_element_type3A_125 = arith.sitofp %convert_element_type3A_124 : vector<16x32xi32> to vector<16x32xf32>
    %reduce_sum3A_126 = arith.constant dense<0.000000e+00> : vector<32xf32>
    %reduce_sum3A_127 = vector.multi_reduction <add>, %convert_element_type3A_125, %reduce_sum3A_126 [0] : vector<16x32xf32> to vector<32xf32>
    %broadcast_in_dim3A_128 = vector.shape_cast %reduce_sum3A_127 : vector<32xf32> to vector<1x32xf32>
    %sub3A_129 = arith.constant 1.000000e+00 : f32
    %sub3A_130 = vector.broadcast %sub3A_129 : f32 to vector<1x32xf32>
    %sub3A_131 = arith.subf %broadcast_in_dim3A_128, %sub3A_130 : vector<1x32xf32>
    %concatenate3A_132 = tpu.concatenate %sub3A_131, %min3A_121 in 0 : vector<1x32xf32>, vector<1x32xf32> -> vector<2x32xf32>
    %convert_element_type3A_133 = arith.fptosi %concatenate3A_132 : vector<2x32xf32> to vector<2x32xi32>
    %swap3A_134 = arith.constant 0 : index
    %swap3A_135 = arith.constant 0 : index
    %swap3A_136 = vector.load %arg5[%swap3A_134, %swap3A_135] : memref<2x32xi32, #tpu.memory_space<vmem>>, vector<2x32xi32>
    tpu.vector_store %arg5[%swap3A_134, %swap3A_135], %convert_element_type3A_133 {strides = array<i32>} : memref<2x32xi32, #tpu.memory_space<vmem>>, vector<2x32xi32>,
    return
  }
}

</mosaic_0001>

<sc_bundles>
// kernel: kernel.6.cloned.1.call-start
scs
__scs_entry_jumppad:
0x0: {  	(pc) =	sbr.rel $0x88, $3  }
0x1: {  	(tag) =	ssettag $0x0;
	lr =	simm.s32 $0x1  }
0x2: {  	[smem:$0x3F9B] =	sst lr;
	_ =	strace $0xD0000000  }
0x3: {  	_ = 	snop  }
0x4: {  	_ = 	snop  }
0x5: {  	_ = 	snop  }
0x6: {  	_ = 	snop  }
0x7: {  	_ = 	snop  }
__scs_overlays_trampoline_lowered:
0x8: {  	[smem:$0x3FAA] =	sst s0  }
0x9: {  	[smem:$0x3FAB] =	sst s1  }
0xa: {  	[smem:$0x3FAC] =	sst s2  }
0xb: {  	[smem:$0x3FAD] =	sst s3  }
0xc: {  	[smem:$0x3FAE] =	sst s4  }
0xd: {  	[smem:$0x3FAF] =	sst s5  }
0xe: {  	[smem:$0x3FB0] =	sst s6  }
0xf: {  	[smem:$0x3FB1] =	sst s7  }
0x10: {  	[smem:$0x3FB2] =	sst s8  }
0x11: {  	[smem:$0x3FB3] =	sst s9;
	s0 =	simm.s32 @!p0 $0x0  }
0x12: {  	s1 =	sld [smem:$0x3F99];
	s0 =	simm.s32 @p0 $0x1  }
0x13: {  	[smem:$0x3FB4] =	sst s0;
	s0 =	simm.s32 @!p1 $0x0  }
0x14: {  	s2 =	sld [smem:$0x3F98];
	s0 =	simm.s32 @p1 $0x1  }
0x15: {  	[smem:$0x3FB5] =	sst s0;
	s0 =	simm.s32 @!p2 $0x0  }
0x16: {  	s3 =	sld [smem:$0x3FDB];
	s0 =	simm.s32 @p2 $0x1  }
0x17: {  	s4 =	simm.s32 $0x1BF5;
	[smem:$0x3FB7] =	sst s0  }
0x18: {  	s0 =	sld [smem:$0x3F9A];
	_ =	swait.ge [sflag:s4], $0x0  }
0x19: {  	s7 =	sld [smem:$0x3F9B]  }
0x1a: {  	s8 =	sadd.s32 $0xFFFFE003, lr  }
0x1b: {  	s9 =	sadd.s32 $0xFFFFFEF7, lr;
	s5 =	simm.s32 $0xFFFFFFFF;
	p2 =	slt.u32 s8, $0xFFFFF086  }
0x1c: {  	p1 =	slt.u32 s9, $0xF7A;
	s5 =	simm.s32 @!p2 $0x0  }
0x1d: {  	s5 =	simm.s32 @p1 $0x1;
	p0 =	seq.s32 s7, s2  }
0x1e: {  	s7 =	smul.u32 @!p0 $0xF7A, s2;
	p2 =	seq.s32 @!p0 s5, $0x0  }
0x1f: {  	s9 =	smul.u32 $0xF7A, s1;
	s8 =	simm.s32 @!p0 $0x1BF5;
	p2 =	por !p2, p0  }
0x20: {  	[sflag:s8] =	ssyncset.s32 @!p0 $0xFFFFF086;
	s6 =	sadd.s32 @!p0 s3, s7;
	s7 =	simm.s32 @!p0 $0x108  }
0x21: {  	s3 =	sadd.s32 s3, s9;
	s6 =	sadd.s32 @!p0 $0x88, s6;
	s7 =	simm.s32 @p2 $0x1082  }
0x22: {  	[simem:s7], [sflag:s8] =	dma.local @!p0 [hbm:s6], $0xF7A  }
0x23: {  	s9 =	sor.u32 $0xD0000000, s2;
	s6 =	simm.s32 $0x108;
	_ =	swait.ge @!p0 [sflag:s8], $0x0  }
0x24: {  	s3 =	sadd.s32 $0x88, s3;
	s6 =	simm.s32 @!p1 $0x1082;
	[sflag:s4] =	ssyncset.s32 $0xFFFFF086  }
0x25: {  	[simem:s6], [sflag:s4] =	dma.local [hbm:s3], $0xF7A  }
0x26: {  	[smem:$0x3F9B] =	sst s1;
	(tag) =	ssettag s2;
	_ =	strace s9  }
0x27: {  	s1 =	sld [smem:$0x3FAB]  }
0x28: {  	s2 =	sld [smem:$0x3FAC]  }
0x29: {  	s4 =	sld [smem:$0x3FAE]  }
0x2a: {  	p0 =	seq.s32 s5, $0x0;
	s5 =	sld [smem:$0x3FAF]  }
0x2b: {  	s6 =	sld [smem:$0x3FB0]  }
0x2c: {  	s7 =	sld [smem:$0x3FB1]  }
0x2d: {  	s3 =	simm.s32 $0x108;
	s8 =	sld [smem:$0x3FB2]  }
0x2e: {  	s3 =	simm.s32 @!p0 $0x1082;
	s9 =	sld [smem:$0x3FB3]  }
0x2f: {  	lr =	sadd.s32 s0, s3;
	s0 =	sld [smem:$0x3FAA]  }
0x30: {  	s3 =	sld [smem:$0x3FAD]  }
0x31: {  	[smem:$0x3FB6] =	sst s10  }
0x32: {  	s10 =	sld [smem:$0x3FB4];
	_ =	sdelay $0x3  }
0x33: {  	p0 =	seq.s32 s10, $0x1;
	s10 =	sld [smem:$0x3FB6];
	_ =	sdelay $0x3  }
0x34: {  	[smem:$0x3FB6] =	sst s10  }
0x35: {  	s10 =	sld [smem:$0x3FB5];
	_ =	sdelay $0x3  }
0x36: {  	p1 =	seq.s32 s10, $0x1;
	s10 =	sld [smem:$0x3FB6];
	_ =	sdelay $0x3  }
0x37: {  	[smem:$0x3FB6] =	sst s10  }
0x38: {  	s10 =	sld [smem:$0x3FB7]  }
0x39: {  	_ = 	snop;
	(pc) =	sbr.ind lr, $3  }
0x3a: {  	_ = 	snop  }
0x3b: {  	_ = 	snop  }
0x3c: {  	p2 =	seq.s32 s10, $0x1;
	s10 =	sld [smem:$0x3FB6]  }
0x3d: {  	_ =	shalt  }
0x3e: {  	_ =	shalt  }
0x3f: {  	_ =	shalt  }
0x40: {  	_ =	shalt  }
0x41: {  	_ =	shalt  }
0x42: {  	_ =	shalt  }
0x43: {  	_ =	shalt  }
0x44: {  	_ =	shalt  }
0x45: {  	_ =	shalt  }
0x46: {  	_ =	shalt  }
0x47: {  	_ =	shalt  }
0x48: {  	_ =	shalt  }
0x49: {  	_ =	shalt  }
0x4a: {  	_ =	shalt  }
0x4b: {  	_ =	shalt  }
0x4c: {  	_ =	shalt  }
0x4d: {  	_ =	shalt  }
0x4e: {  	_ =	shalt  }
0x4f: {  	_ =	shalt  }
0x50: {  	_ =	shalt  }
0x51: {  	_ =	shalt  }
0x52: {  	_ =	shalt  }
0x53: {  	_ =	shalt  }
0x54: {  	_ =	shalt  }
0x55: {  	_ =	shalt  }
0x56: {  	_ =	shalt  }
0x57: {  	_ =	shalt  }
0x58: {  	_ =	shalt  }
0x59: {  	_ =	shalt  }
0x5a: {  	_ =	shalt  }
0x5b: {  	_ =	shalt  }
0x5c: {  	_ =	shalt  }
0x5d: {  	_ =	shalt  }
0x5e: {  	_ =	shalt  }
0x5f: {  	_ =	shalt  }
0x60: {  	_ =	shalt  }
0x61: {  	_ =	shalt  }
0x62: {  	_ =	shalt  }
0x63: {  	_ =	shalt  }
0x64: {  	_ =	shalt  }
0x65: {  	_ =	shalt  }
0x66: {  	_ =	shalt  }
0x67: {  	_ =	shalt  }
0x68: {  	_ =	shalt  }
0x69: {  	_ =	shalt  }
0x6a: {  	_ =	shalt  }
0x6b: {  	_ =	shalt  }
0x6c: {  	_ =	shalt  }
0x6d: {  	_ =	shalt  }
0x6e: {  	_ =	shalt  }
0x6f: {  	_ =	shalt  }
0x70: {  	_ =	shalt  }
0x71: {  	_ =	shalt  }
0x72: {  	_ =	shalt  }
0x73: {  	_ =	shalt  }
0x74: {  	_ =	shalt  }
0x75: {  	_ =	shalt  }
0x76: {  	_ =	shalt  }
0x77: {  	_ =	shalt  }
0x78: {  	_ =	shalt  }
0x79: {  	_ =	shalt  }
0x7a: {  	_ =	shalt  }
0x7b: {  	_ =	shalt  }
0x7c: {  	_ =	shalt  }
0x7d: {  	_ =	shalt  }
0x7e: {  	_ =	shalt  }
0x7f: {  	_ =	shalt  }
0x80: {  	_ =	shalt  }
0x81: {  	_ =	shalt  }
0x82: {  	_ =	shalt  }
0x83: {  	_ =	shalt  }
0x84: {  	_ =	shalt  }
0x85: {  	_ =	shalt  }
0x86: {  	_ =	shalt  }
0x87: {  	_ =	shalt  }
.Lfunc_end0:
.L_simem_size_0:
called_computation_lowered:
.L_overlay_start_0:
0x88: {  	s2 =	sld [smem:$0x3FD9]  }
0x89: {  	s3 =	sld [smem:$0x3FFE];
	_ =	sdelay $0x1  }
0x8a: {  	s1 =	srdreg.scid  }
0x8b: {  	s0 =	sand.u32 $0x1, s1  }
0x8c: {  	s17 =	sshll.u32 s0, $0xA;
	s2 =	sadd.s32 s3, s2  }
0x8d: {  	s2 =	sadd.s32 s2, s17  }
0x8e: {  	[smem:$0x3FC2] =	sst s2  }
0x8f: {  	_ = 	snop  }
0x90: {  	s2 =	sld [smem:$0x3FC9]  }
0x91: {  	s18 =	sld [smem:$0x3FD0];
	(tm) =	ssettm $0x1  }
0x92: {  	s4 =	sld [smem:$0x3FFB];
	_ =	sdelay $0x3  }
0x93: {  	_ =	strace s4  }
0x94: {  	s4 =	sld [smem:$0x3FFC];
	_ =	sdelay $0x3  }
0x95: {  	_ =	strace s4  }
0x96: {  	s4 =	sld [smem:$0x3FFD];
	_ =	sdelay $0x3  }
0x97: {  	_ =	strace s4  }
0x98: {  	_ =	strace $0x8FFFFFFF  }
0x99: {  	s19 =	sld [smem:$0x3FDB];
	_ =	sdelay $0x1  }
0x9a: {  	s5 =	simm.s32 $_scs_section_size  }
0x9b: {  	s6 =	simm.s32 $_size__tile_overlayer_lowered;
	s7 =	simm.s32 $_tile_overlayer_lowered  }
0x9c: {  	s22 =	simm.s32 $0x1BFF;
	s21 =	sshll.u32 s7, $0x1;
	s4 =	sadd.s32 s5, s19  }
0x9d: {  	s8 =	simm.s32 $0x0;
	s20 =	sshll.u32 s6, $0x1;
	s6 =	sadd.s32 s21, s4  }
0x9e: {  	[timem:s8], [sflag:s22] =	dma.local [hbm:s6], s20  }
0x9f: {  	_ =	swait.ge [sflag:s22], s20  }
0xa0: {  	s5 =	ssub.s32 $0x0, s20;
	[sflag:s22] =	ssyncset.done $0x0  }
0xa1: {  	[sflag:s22] =	ssyncadd.s32 s5;
	_ =	sdelay $0x1  }
0xa2: {  	s23 =	simm.s32 $0x1B8B  }
0xa3: {  	_ =	swait.ge [sflag:s23], $0x1  }
0xa4: {  	[sflag:s23] =	ssyncset.done $0x0  }
0xa5: {  	s25 =	simm.s32 $0x1B8E;
	s24 =	sld [smem:$0x3FFE];
	[sflag:s23] =	ssyncadd.s32 $0xFFFFFFFF  }
0xa6: {  	s26 =	simm.s32 $execute0_lowered;
	[smem:$0x3FD2] =	sst s25  }
0xa7: {  	s6 =	sshll.u32 s26, $0x1;
	_ =	strace $0x80000046;
	[dreg:$0x1] =	wrdreg $0xFFFFFFFF  }
0xa8: {  	s28 =	simm.s32 $_size_execute0_lowered;
	s4 =	sadd.s32 s4, s6;
	[dreg:$0x0] =	wrdreg $0x0  }
0xa9: {  	s6 =	sshll.u32 s28, $0x1;
	[dreg:$0x2] =	wrdreg s4  }
0xaa: {  	[dreg:$0x3] =	wrdreg s6  }
0xab: {  	[dreg:$0x4] =	wrdreg $0xC0  }
0xac: {  	_ =	task [dreg:s8], $0x5FFFF  }
0xad: {  	[dreg:$0x1] =	wrdreg $0xFFFFFFFF  }
0xae: {  	[dreg:$0x0] =	wrdreg $0x60  }
0xaf: {  	[dreg:$0x2] =	wrdreg s2  }
0xb0: {  	[dreg:$0x3] =	wrdreg s24  }
0xb1: {  	[dreg:$0x4] =	wrdreg s18  }
0xb2: {  	[dreg:$0x5] =	wrdreg $0x9  }
0xb3: {  	_ =	task.clear_ibuf [dreg:s8], $0x6FFFF;
	_ =	strace $0x90000046  }
0xb4: {  	s29 =	simm.s32 $0x9;
	_ =	strace $0x80000048  }
0xb5: {  	_ =	swait.ge [sflag:s29], $0x1  }
0xb6: {  	[sflag:s29] =	ssyncadd.s32 $0xFFFFFFFF  }
0xb7: {  	_ =	strace $0x90000048  }
0xb8: {  	_ =	sfence  }
0xb9: {  	s30 =	sld [smem:$0x0];
	_ =	sdelay $0x2  }
0xba: {  	s31 =	sshll.u32 s1, $0xD;
	s1 =	sshrl.u32 s1, $0x2  }
0xbb: {  	s3 =	sand.u32 $0x4000, s31;
	s1 =	sadd.s32 s1, s30  }
0xbc: {  	s0 =	sor.u32 s3, s0;
	s1 =	sshll.u32 s1, $0x11  }
0xbd: {  	s0 =	sor.u32 s1, s0  }
0xbe: {  	s0 =	sadd.s32 $0x8F2B, s0  }
0xbf: {  	[sflag:s0] =	ssyncadd.remote.s32 $0x1  }
0xc0: {  	_ =	sfence.sel $0xFFFF  }
0xc1: {  	[dreg:$0x0] =	wrdreg $0xFFFFFFFF;
	(pc) =	sbr.abs _section_cstart, $3  }
0xc2: {  	[dreg:$0x1] =	wrdreg $0xFFFFFFFF  }
0xc3: {  	_ =	task.clear_ibuf [dreg:s8], $0x2FFFF;
	_ =	strace $0x9FFFFFFF  }
0xc4: {  	(tm) =	ssettm $0x7FFFFFFF  }
0xc5: {  	_ =	shalt  }
tec
execute0_lowered:
.L_overlay_start_1:
0x0: {  	(tag) =	ssettag $0x1  }
0x1: {  	s1 =	rddreg [dreg:$0x0]  }
0x2: {  	s5 =	rddreg [dreg:$0x1];
	s2 =	srdreg.scid  }
0x3: {  	s3 =	rddreg [dreg:$0x2];
	s0 =	stileid.u32;
	s23 =	simm.s32 $0x880  }
0x4: {  	s24 =	simm.s32 $0x1080;
	s25 =	simm.s32 $0x1880;
	s8 =	simm.s32 $0xC080  }
0x5: {  	s26 =	simm.s32 $0x2080;
	s9 =	simm.s32 $0x1;
	s10 =	simm.s32 $0x2  }
0x6: {  	s12 =	simm.s32 $0x3080;
	s13 =	simm.s32 $0x3880;
	s14 =	simm.s32 $0x4080  }
0x7: {  	s15 =	simm.s32 $0x4880;
	s16 =	simm.s32 $0x5080;
	s17 =	simm.s32 $0x5880  }
0x8: {  	s18 =	simm.s32 $0x6080;
	s19 =	simm.s32 $0x6880;
	s28 =	simm.s32 $0xA880  }
0x9: {  	s4 =	sand.u32 $0x1, s2;
	[dreg:$0x4] =	wrdreg s3;
	s2 =	simm.s32 $0x0  }
0xa: {  	s29 =	simm.s32 $0xB080;
	s30 =	simm.s32 $0xB880;
	[smem:$0x7FF] =	sst s2  }
0xb: {  	s31 =	simm.s32 $0x3;
	_ =	strace $0x80000047;
	[dreg:$0x8] =	wrdreg s23  }
0xc: {  	s20 =	sshll.u32 s0, $0x7;
	s6 =	sshll.u32 s4, $0x6;
	[dreg:$0x9] =	wrdreg s24  }
0xd: {  	s4 =	ssub.s32 $0x2, s4;
	s3 =	sor.u32 s6, s20;
	[dreg:$0xa] =	wrdreg s25  }
0xe: {  	s21 =	sshrl.u32 s4, $0x1;
	[dreg:$0xb] =	wrdreg s26;
	s20 =	simm.s32 $0x7080  }
0xf: {  	s23 =	simm.s32 $0x8880;
	s24 =	simm.s32 $0x9080;
	s25 =	simm.s32 $0x9880  }
0x10: {  	s26 =	simm.s32 $0xA080;
	s6 =	sshrl.u32 s3, $0x3;
	s3 =	sshll.u32 s3, $0x4  }
0x11: {  	s7 =	sadd.s32 s6, s5;
	s6 =	smul.u32 $0x300, s6;
	s3 =	sadd.s32 s3, s5  }
0x12: {  	s7 =	sadd.s32 $0x9A00, s7;
	s22 =	sadd.s32 $0x1A00, s3;
	s3 =	sadd.s32 $0x9C00, s5  }
0x13: {  	[dreg:$0x5] =	wrdreg s7;
	s1 =	sadd.s32 s1, s6;
	s6 =	ssub.s32 s4, s21  }
0x14: {  	v2 =	vlaneseq.u32;
	[dreg:$0x7] =	wrdreg s22;
	s4 =	sadd.s32 $0x9D00, s5;
	s5 =	sadd.s32 $0x9E00, s5  }
0x15: {  	vm0 =	vmmov $0xffff;
	v1 =	vshrl.u32 v2, $0x3;
	s7 =	simm.s32 $0x80;
	s21 =	simm.s32 $0x7880;
	s22 =	simm.s32 $0x8080  }
0x16: {  	v0 =	vand.u32 $0x7, v2;
	v2 =	vor.u32 $0x8, v2;
	v1 =	vmul.u32 $0x8, v1;
	[dreg:$0x6] =	wrdreg s1;
	s6 =	smax.u32 s6, $0x1;
	s1 =	simm.s32 $0x40  }
.LBB2_1:
0x17: {  	s0 =	rddreg [dreg:$0x5]  }
0x18: {  	[tilespmem:s2], [sflag:$0x1] =	stream.linear.gather [hbm4b:s0+s2], $0x40, $0x38;
	[tilespmem:$0xE080] =	vst v63  }
0x19: {  	s11 =	rddreg [dreg:$0x6]  }
0x1a: {  	[tilespmem:s7], [sflag:$0x2] =	stream.linear.gather [hbm4b:s11+s2], $0xC000, $0x38;
	[tilespmem:$0xE080] =	vst v63  }
0x1b: {  	s0 =	rddreg [dreg:$0x7]  }
0x1c: {  	[tilespmem:s8], [sflag:$0x3] =	stream.linear.gather [hbm4b:s0+s2], $0x2000, $0x38;
	[tilespmem:$0xE080] =	vst v63  }
0x1d: {  	_ =	swait.ge [sflag:s9], $0x40  }
0x1e: {  	[sflag:s9] =	ssyncset.done $0x0  }
0x1f: {  	[sflag:s9] =	ssyncadd.s32 $0xFFFFFFC0  }
0x20: {  	_ =	swait.ge [sflag:s10], $0xC000  }
0x21: {  	[sflag:s10] =	ssyncset.done $0x0  }
0x22: {  	[sflag:s10] =	ssyncadd.s32 $0xFFFF4000  }
0x23: {  	v3 =	vld [tilespmem:$0x0];
	_ =	sdelay $0x4  }
0x24: {  	v4 =	vshrl.u32 v3, $0x3  }
0x25: {  	v4 =	vmul.u32 $0x30, v4  }
0x26: {  	v3 =	vand.u32 $0x7, v3  }
0x27: {  	v3 =	vor.u32 v3, v4  }
0x28: {  	v4 =	vperm.xlane v3, v0;
	_ =	sdelay $0x1  }
0x29: {  	v4 =	vadd.s32 v1, v4;
	_ =	sdelay $0x3  }
0x2a: {  	v3 =	vperm.xlane v3, v2  }
0x2b: {  	[hbm4b:s3+s2] =	stream.indirect_vreg.scatter [tilespmem:s7], [sflag:$0x1], $0x80, v4, vm0, $0xb8;
	[tilespmem:$0xE080] =	vst v63  }
0x2c: {  	s0 =	rddreg [dreg:$0x8];
	v3 =	vadd.s32 v1, v3  }
0x2d: {  	[hbm4b:s4+s2] =	stream.indirect_vreg.scatter [tilespmem:s0], [sflag:$0x1], $0x80, v4, vm0, $0xb8;
	[tilespmem:$0xE080] =	vst v63  }
0x2e: {  	s11 =	rddreg [dreg:$0x9]  }
0x2f: {  	[hbm4b:s5+s2] =	stream.indirect_vreg.scatter [tilespmem:s11], [sflag:$0x1], $0x80, v4, vm0, $0xb8;
	[tilespmem:$0xE080] =	vst v63  }
0x30: {  	s0 =	rddreg [dreg:$0xa]  }
0x31: {  	[hbm4b:s3+s2] =	stream.indirect_vreg.scatter [tilespmem:s0], [sflag:$0x1], $0x80, v3, vm0, $0xb8;
	[tilespmem:$0xE080] =	vst v63  }
0x32: {  	s11 =	rddreg [dreg:$0xb]  }
0x33: {  	[hbm4b:s4+s2] =	stream.indirect_vreg.scatter [tilespmem:s11], [sflag:$0x1], $0x80, v3, vm0, $0xb8;
	[tilespmem:$0xE080] =	vst v63  }
0x34: {  	s11 =	simm.s32 $0x2880  }
0x35: {  	[hbm4b:s5+s2] =	stream.indirect_vreg.scatter [tilespmem:s11], [sflag:$0x1], $0x80, v3, vm0, $0xb8;
	[tilespmem:$0xE080] =	vst v63  }
0x36: {  	v3 =	vld [tilespmem:$0x10];
	_ =	sdelay $0x4  }
0x37: {  	v61 =	vshrl.u32 v3, $0x3  }
0x38: {  	v4 =	vmul.u32 $0x30, v61  }
0x39: {  	v3 =	vand.u32 $0x7, v3  }
0x3a: {  	v3 =	vor.u32 v3, v4  }
0x3b: {  	v4 =	vperm.xlane v3, v0;
	_ =	sdelay $0x1  }
0x3c: {  	v4 =	vadd.s32 v1, v4;
	_ =	sdelay $0x3  }
0x3d: {  	v3 =	vperm.xlane v3, v2  }
0x3e: {  	[hbm4b:s3+s2] =	stream.indirect_vreg.scatter [tilespmem:s12], [sflag:$0x1], $0x80, v4, vm0, $0xb8;
	[tilespmem:$0xE080] =	vst v63  }
0x3f: {  	v3 =	vadd.s32 v1, v3  }
0x40: {  	[hbm4b:s4+s2] =	stream.indirect_vreg.scatter [tilespmem:s13], [sflag:$0x1], $0x80, v4, vm0, $0xb8;
	[tilespmem:$0xE080] =	vst v63  }
0x41: {  	_ = 	snop  }
0x42: {  	[hbm4b:s5+s2] =	stream.indirect_vreg.scatter [tilespmem:s14], [sflag:$0x1], $0x80, v4, vm0, $0xb8;
	[tilespmem:$0xE080] =	vst v63  }
0x43: {  	_ = 	snop  }
0x44: {  	[hbm4b:s3+s2] =	stream.indirect_vreg.scatter [tilespmem:s15], [sflag:$0x1], $0x80, v3, vm0, $0xb8;
	[tilespmem:$0xE080] =	vst v63  }
0x45: {  	_ = 	snop  }
0x46: {  	[hbm4b:s4+s2] =	stream.indirect_vreg.scatter [tilespmem:s16], [sflag:$0x1], $0x80, v3, vm0, $0xb8;
	[tilespmem:$0xE080] =	vst v63  }
0x47: {  	_ = 	snop  }
0x48: {  	[hbm4b:s5+s2] =	stream.indirect_vreg.scatter [tilespmem:s17], [sflag:$0x1], $0x80, v3, vm0, $0xb8;
	[tilespmem:$0xE080] =	vst v63  }
0x49: {  	v3 =	vld [tilespmem:$0x20];
	_ =	sdelay $0x4  }
0x4a: {  	v62 =	vshrl.u32 v3, $0x3  }
0x4b: {  	v4 =	vmul.u32 $0x30, v62  }
0x4c: {  	v3 =	vand.u32 $0x7, v3  }
0x4d: {  	v3 =	vor.u32 v3, v4  }
0x4e: {  	v4 =	vperm.xlane v3, v0;
	_ =	sdelay $0x1  }
0x4f: {  	v4 =	vadd.s32 v1, v4;
	_ =	sdelay $0x3  }
0x50: {  	v3 =	vperm.xlane v3, v2  }
0x51: {  	[hbm4b:s3+s2] =	stream.indirect_vreg.scatter [tilespmem:s18], [sflag:$0x1], $0x80, v4, vm0, $0xb8;
	[tilespmem:$0xE080] =	vst v63  }
0x52: {  	v3 =	vadd.s32 v1, v3  }
0x53: {  	[hbm4b:s4+s2] =	stream.indirect_vreg.scatter [tilespmem:s19], [sflag:$0x1], $0x80, v4, vm0, $0xb8;
	[tilespmem:$0xE080] =	vst v63  }
0x54: {  	_ = 	snop  }
0x55: {  	[hbm4b:s5+s2] =	stream.indirect_vreg.scatter [tilespmem:s20], [sflag:$0x1], $0x80, v4, vm0, $0xb8;
	[tilespmem:$0xE080] =	vst v63  }
0x56: {  	_ = 	snop  }
0x57: {  	[hbm4b:s3+s2] =	stream.indirect_vreg.scatter [tilespmem:s21], [sflag:$0x1], $0x80, v3, vm0, $0xb8;
	[tilespmem:$0xE080] =	vst v63  }
0x58: {  	_ = 	snop  }
0x59: {  	[hbm4b:s4+s2] =	stream.indirect_vreg.scatter [tilespmem:s22], [sflag:$0x1], $0x80, v3, vm0, $0xb8;
	[tilespmem:$0xE080] =	vst v63  }
0x5a: {  	_ = 	snop  }
0x5b: {  	[hbm4b:s5+s2] =	stream.indirect_vreg.scatter [tilespmem:s23], [sflag:$0x1], $0x80, v3, vm0, $0xb8;
	[tilespmem:$0xE080] =	vst v63  }
0x5c: {  	v3 =	vld [tilespmem:$0x30];
	_ =	sdelay $0x4  }
0x5d: {  	v63 =	vshrl.u32 v3, $0x3  }
0x5e: {  	v4 =	vmul.u32 $0x30, v63  }
0x5f: {  	v3 =	vand.u32 $0x7, v3  }
0x60: {  	v3 =	vor.u32 v3, v4  }
0x61: {  	v4 =	vperm.xlane v3, v0;
	_ =	sdelay $0x1  }
0x62: {  	v4 =	vadd.s32 v1, v4;
	_ =	sdelay $0x3  }
0x63: {  	v3 =	vperm.xlane v3, v2  }
0x64: {  	[hbm4b:s3+s2] =	stream.indirect_vreg.scatter [tilespmem:s24], [sflag:$0x1], $0x80, v4, vm0, $0xb8;
	[tilespmem:$0xE080] =	vst v63  }
0x65: {  	v3 =	vadd.s32 v1, v3  }
0x66: {  	[hbm4b:s4+s2] =	stream.indirect_vreg.scatter [tilespmem:s25], [sflag:$0x1], $0x80, v4, vm0, $0xb8;
	[tilespmem:$0xE080] =	vst v63  }
0x67: {  	_ = 	snop  }
0x68: {  	[hbm4b:s5+s2] =	stream.indirect_vreg.scatter [tilespmem:s26], [sflag:$0x1], $0x80, v4, vm0, $0xb8;
	[tilespmem:$0xE080] =	vst v63  }
0x69: {  	_ = 	snop  }
0x6a: {  	[hbm4b:s3+s2] =	stream.indirect_vreg.scatter [tilespmem:s28], [sflag:$0x1], $0x80, v3, vm0, $0xb8;
	[tilespmem:$0xE080] =	vst v63  }
0x6b: {  	_ = 	snop  }
0x6c: {  	[hbm4b:s4+s2] =	stream.indirect_vreg.scatter [tilespmem:s29], [sflag:$0x1], $0x80, v3, vm0, $0xb8;
	[tilespmem:$0xE080] =	vst v63  }
0x6d: {  	_ = 	snop  }
0x6e: {  	[hbm4b:s5+s2] =	stream.indirect_vreg.scatter [tilespmem:s30], [sflag:$0x1], $0x80, v3, vm0, $0xb8;
	[tilespmem:$0xE080] =	vst v63  }
0x6f: {  	_ =	swait.ge [sflag:s31], $0x2000  }
0x70: {  	[sflag:s31] =	ssyncset.done $0x0  }
0x71: {  	s11 =	rddreg [dreg:$0x4];
	[sflag:s31] =	ssyncadd.s32 $0xFFFFE000  }
0x72: {  	[hbm4b:s11+s1] =	stream.indirect.scatter [tilespmem:s8], [sflag:$0x2], $0x80, s2, s1, $0xb8;
	[tilespmem:$0xE080] =	vst v63  }
0x73: {  	p0 =	sne.s32 s6, $0x1;
	_ =	swait.ge [sflag:s9], $0xC000  }
.Ltmp0:
0x74: {  	[sflag:s9] =	ssyncset.done $0x0;
	(pc) =	sbr.rel @p0 .LBB2_1-.Ltmp0, $4  }
0x75: {  	[sflag:s9] =	ssyncadd.s32 $0xFFFF4000  }
0x76: {  	_ =	swait.ge [sflag:s10], $0x2000  }
0x77: {  	[sflag:s10] =	ssyncset.done $0x0  }
0x78: {  	s6 =	sadd.s32 $0xFFFFFFFF, s6;
	[sflag:s10] =	ssyncadd.s32 $0xFFFFE000  }
0x79: {  	_ =	sfence.sel $0x180000  }
0x7a: {  	[bflag:$0x0] =	sbarrier.arrive $0xFFFF  }
0x7b: {  	_ =	strace $0x90000047  }
0x7c: {  	s0 =	stileid.u32;
	[bflag:$0x2] =	sbarrier.arrive $0xFFFF  }
0x7d: {  	p0 =	sne.s32 s0, $0x0;
	s0 =	rddreg [dreg:$0x3]  }
0x7e: {  	s0 =	sadd.s32 @!p0 $0x100000, s0  }
0x7f: {  	[sflag:s0] =	ssyncadd.tile.s32 @!p0 $0x1;
	_ =	shalt  }
.Lfunc_end2:
_tile_overlayer_lowered:
.L_overlay_start_2:
0x80: {  	(tag) =	ssettag $0x2  }
0x81: {  	s0 =	rddreg [dreg:$0x0];
	s2 =	stileid.u32  }
0x82: {  	s1 =	rddreg [dreg:$0x1];
	p0 =	sne.s32 s2, $0x0  }
0x83: {  	s3 =	rddreg [dreg:$0x2];
	[bflag:$0x3] =	sbarrier.arrive $0xFFFF;
	s2 =	simm.s32 @!p0 $0x1C04  }
0x84: {  	[timem:s3], [sflag:s2] =	dma.local @!p0 [hbm:s0], s1  }
0x85: {  	s0 =	simm.s32 @!p0 $0x4  }
0x86: {  	_ =	swait.ge @!p0 [sflag:s0], s1  }
0x87: {  	s1 =	ssub.s32 @!p0 $0x0, s1;
	[sflag:s0] =	ssyncset.done @!p0 $0x0  }
0x88: {  	[sflag:s0] =	ssyncadd.s32 @!p0 s1  }
0x89: {  	[bflag:$0x3] =	sbarrier.arrive $0xFFFF  }
0x8a: {  	_ =	shalt  }

// kernel: kernel.9.cloned.1.call-start
scs
__scs_entry_jumppad:
0x0: {  	(pc) =	sbr.rel $0x88, $3  }
0x1: {  	(tag) =	ssettag $0x0;
	lr =	simm.s32 $0x1  }
0x2: {  	[smem:$0x3F9B] =	sst lr;
	_ =	strace $0xD0000000  }
0x3: {  	_ = 	snop  }
0x4: {  	_ = 	snop  }
0x5: {  	_ = 	snop  }
0x6: {  	_ = 	snop  }
0x7: {  	_ = 	snop  }
__scs_overlays_trampoline_lowered:
0x8: {  	[smem:$0x3FAA] =	sst s0  }
0x9: {  	[smem:$0x3FAB] =	sst s1  }
0xa: {  	[smem:$0x3FAC] =	sst s2  }
0xb: {  	[smem:$0x3FAD] =	sst s3  }
0xc: {  	[smem:$0x3FAE] =	sst s4  }
0xd: {  	[smem:$0x3FAF] =	sst s5  }
0xe: {  	[smem:$0x3FB0] =	sst s6  }
0xf: {  	[smem:$0x3FB1] =	sst s7  }
0x10: {  	[smem:$0x3FB2] =	sst s8  }
0x11: {  	[smem:$0x3FB3] =	sst s9;
	s0 =	simm.s32 @!p0 $0x0  }
0x12: {  	s1 =	sld [smem:$0x3F99];
	s0 =	simm.s32 @p0 $0x1  }
0x13: {  	[smem:$0x3FB4] =	sst s0;
	s0 =	simm.s32 @!p1 $0x0  }
0x14: {  	s2 =	sld [smem:$0x3F98];
	s0 =	simm.s32 @p1 $0x1  }
0x15: {  	[smem:$0x3FB5] =	sst s0;
	s0 =	simm.s32 @!p2 $0x0  }
0x16: {  	s3 =	sld [smem:$0x3FDB];
	s0 =	simm.s32 @p2 $0x1  }
0x17: {  	s4 =	simm.s32 $0x1BF5;
	[smem:$0x3FB7] =	sst s0  }
0x18: {  	s0 =	sld [smem:$0x3F9A];
	_ =	swait.ge [sflag:s4], $0x0  }
0x19: {  	s7 =	sld [smem:$0x3F9B]  }
0x1a: {  	s8 =	sadd.s32 $0xFFFFE003, lr  }
0x1b: {  	s9 =	sadd.s32 $0xFFFFFEF7, lr;
	s5 =	simm.s32 $0xFFFFFFFF;
	p2 =	slt.u32 s8, $0xFFFFF086  }
0x1c: {  	p1 =	slt.u32 s9, $0xF7A;
	s5 =	simm.s32 @!p2 $0x0  }
0x1d: {  	s5 =	simm.s32 @p1 $0x1;
	p0 =	seq.s32 s7, s2  }
0x1e: {  	s7 =	smul.u32 @!p0 $0xF7A, s2;
	p2 =	seq.s32 @!p0 s5, $0x0  }
0x1f: {  	s9 =	smul.u32 $0xF7A, s1;
	s8 =	simm.s32 @!p0 $0x1BF5;
	p2 =	por !p2, p0  }
0x20: {  	[sflag:s8] =	ssyncset.s32 @!p0 $0xFFFFF086;
	s6 =	sadd.s32 @!p0 s3, s7;
	s7 =	simm.s32 @!p0 $0x108  }
0x21: {  	s3 =	sadd.s32 s3, s9;
	s6 =	sadd.s32 @!p0 $0x88, s6;
	s7 =	simm.s32 @p2 $0x1082  }
0x22: {  	[simem:s7], [sflag:s8] =	dma.local @!p0 [hbm:s6], $0xF7A  }
0x23: {  	s9 =	sor.u32 $0xD0000000, s2;
	s6 =	simm.s32 $0x108;
	_ =	swait.ge @!p0 [sflag:s8], $0x0  }
0x24: {  	s3 =	sadd.s32 $0x88, s3;
	s6 =	simm.s32 @!p1 $0x1082;
	[sflag:s4] =	ssyncset.s32 $0xFFFFF086  }
0x25: {  	[simem:s6], [sflag:s4] =	dma.local [hbm:s3], $0xF7A  }
0x26: {  	[smem:$0x3F9B] =	sst s1;
	(tag) =	ssettag s2;
	_ =	strace s9  }
0x27: {  	s1 =	sld [smem:$0x3FAB]  }
0x28: {  	s2 =	sld [smem:$0x3FAC]  }
0x29: {  	s4 =	sld [smem:$0x3FAE]  }
0x2a: {  	p0 =	seq.s32 s5, $0x0;
	s5 =	sld [smem:$0x3FAF]  }
0x2b: {  	s6 =	sld [smem:$0x3FB0]  }
0x2c: {  	s7 =	sld [smem:$0x3FB1]  }
0x2d: {  	s3 =	simm.s32 $0x108;
	s8 =	sld [smem:$0x3FB2]  }
0x2e: {  	s3 =	simm.s32 @!p0 $0x1082;
	s9 =	sld [smem:$0x3FB3]  }
0x2f: {  	lr =	sadd.s32 s0, s3;
	s0 =	sld [smem:$0x3FAA]  }
0x30: {  	s3 =	sld [smem:$0x3FAD]  }
0x31: {  	[smem:$0x3FB6] =	sst s10  }
0x32: {  	s10 =	sld [smem:$0x3FB4];
	_ =	sdelay $0x3  }
0x33: {  	p0 =	seq.s32 s10, $0x1;
	s10 =	sld [smem:$0x3FB6];
	_ =	sdelay $0x3  }
0x34: {  	[smem:$0x3FB6] =	sst s10  }
0x35: {  	s10 =	sld [smem:$0x3FB5];
	_ =	sdelay $0x3  }
0x36: {  	p1 =	seq.s32 s10, $0x1;
	s10 =	sld [smem:$0x3FB6];
	_ =	sdelay $0x3  }
0x37: {  	[smem:$0x3FB6] =	sst s10  }
0x38: {  	s10 =	sld [smem:$0x3FB7]  }
0x39: {  	_ = 	snop;
	(pc) =	sbr.ind lr, $3  }
0x3a: {  	_ = 	snop  }
0x3b: {  	_ = 	snop  }
0x3c: {  	p2 =	seq.s32 s10, $0x1;
	s10 =	sld [smem:$0x3FB6]  }
0x3d: {  	_ =	shalt  }
0x3e: {  	_ =	shalt  }
0x3f: {  	_ =	shalt  }
0x40: {  	_ =	shalt  }
0x41: {  	_ =	shalt  }
0x42: {  	_ =	shalt  }
0x43: {  	_ =	shalt  }
0x44: {  	_ =	shalt  }
0x45: {  	_ =	shalt  }
0x46: {  	_ =	shalt  }
0x47: {  	_ =	shalt  }
0x48: {  	_ =	shalt  }
0x49: {  	_ =	shalt  }
0x4a: {  	_ =	shalt  }
0x4b: {  	_ =	shalt  }
0x4c: {  	_ =	shalt  }
0x4d: {  	_ =	shalt  }
0x4e: {  	_ =	shalt  }
0x4f: {  	_ =	shalt  }
0x50: {  	_ =	shalt  }
0x51: {  	_ =	shalt  }
0x52: {  	_ =	shalt  }
0x53: {  	_ =	shalt  }
0x54: {  	_ =	shalt  }
0x55: {  	_ =	shalt  }
0x56: {  	_ =	shalt  }
0x57: {  	_ =	shalt  }
0x58: {  	_ =	shalt  }
0x59: {  	_ =	shalt  }
0x5a: {  	_ =	shalt  }
0x5b: {  	_ =	shalt  }
0x5c: {  	_ =	shalt  }
0x5d: {  	_ =	shalt  }
0x5e: {  	_ =	shalt  }
0x5f: {  	_ =	shalt  }
0x60: {  	_ =	shalt  }
0x61: {  	_ =	shalt  }
0x62: {  	_ =	shalt  }
0x63: {  	_ =	shalt  }
0x64: {  	_ =	shalt  }
0x65: {  	_ =	shalt  }
0x66: {  	_ =	shalt  }
0x67: {  	_ =	shalt  }
0x68: {  	_ =	shalt  }
0x69: {  	_ =	shalt  }
0x6a: {  	_ =	shalt  }
0x6b: {  	_ =	shalt  }
0x6c: {  	_ =	shalt  }
0x6d: {  	_ =	shalt  }
0x6e: {  	_ =	shalt  }
0x6f: {  	_ =	shalt  }
0x70: {  	_ =	shalt  }
0x71: {  	_ =	shalt  }
0x72: {  	_ =	shalt  }
0x73: {  	_ =	shalt  }
0x74: {  	_ =	shalt  }
0x75: {  	_ =	shalt  }
0x76: {  	_ =	shalt  }
0x77: {  	_ =	shalt  }
0x78: {  	_ =	shalt  }
0x79: {  	_ =	shalt  }
0x7a: {  	_ =	shalt  }
0x7b: {  	_ =	shalt  }
0x7c: {  	_ =	shalt  }
0x7d: {  	_ =	shalt  }
0x7e: {  	_ =	shalt  }
0x7f: {  	_ =	shalt  }
0x80: {  	_ =	shalt  }
0x81: {  	_ =	shalt  }
0x82: {  	_ =	shalt  }
0x83: {  	_ =	shalt  }
0x84: {  	_ =	shalt  }
0x85: {  	_ =	shalt  }
0x86: {  	_ =	shalt  }
0x87: {  	_ =	shalt  }
.Lfunc_end0:
.L_simem_size_0:
called_computation.1_lowered:
.L_overlay_start_0:
0x88: {  	s2 =	sld [smem:$0x3FD9]  }
0x89: {  	s3 =	sld [smem:$0x3FFE];
	_ =	sdelay $0x1  }
0x8a: {  	s1 =	srdreg.scid  }
0x8b: {  	s0 =	sand.u32 $0x1, s1  }
0x8c: {  	s17 =	sshll.u32 s0, $0xA;
	s2 =	sadd.s32 s3, s2  }
0x8d: {  	s2 =	sadd.s32 s2, s17  }
0x8e: {  	[smem:$0x3FC2] =	sst s2  }
0x8f: {  	_ = 	snop  }
0x90: {  	s2 =	sld [smem:$0x3FD0];
	(tm) =	ssettm $0x1  }
0x91: {  	s18 =	sld [smem:$0x3FFB];
	_ =	sdelay $0x3  }
0x92: {  	_ =	strace s18  }
0x93: {  	s3 =	sld [smem:$0x3FFC];
	_ =	sdelay $0x3  }
0x94: {  	_ =	strace s3  }
0x95: {  	s3 =	sld [smem:$0x3FFD];
	_ =	sdelay $0x3  }
0x96: {  	_ =	strace s3  }
0x97: {  	_ =	strace $0x8FFFFFFF  }
0x98: {  	s19 =	sld [smem:$0x3FDB];
	_ =	sdelay $0x1  }
0x99: {  	s4 =	simm.s32 $_scs_section_size  }
0x9a: {  	s5 =	simm.s32 $_size__tile_overlayer_lowered;
	s6 =	simm.s32 $_tile_overlayer_lowered  }
0x9b: {  	s22 =	simm.s32 $0x1BFF;
	s21 =	sshll.u32 s6, $0x1;
	s3 =	sadd.s32 s4, s19  }
0x9c: {  	s7 =	simm.s32 $0x0;
	s20 =	sshll.u32 s5, $0x1;
	s5 =	sadd.s32 s21, s3  }
0x9d: {  	[timem:s7], [sflag:s22] =	dma.local [hbm:s5], s20  }
0x9e: {  	_ =	swait.ge [sflag:s22], s20  }
0x9f: {  	s4 =	ssub.s32 $0x0, s20;
	[sflag:s22] =	ssyncset.done $0x0  }
0xa0: {  	[sflag:s22] =	ssyncadd.s32 s4;
	_ =	sdelay $0x1  }
0xa1: {  	s23 =	simm.s32 $0x1B8B  }
0xa2: {  	_ =	swait.ge [sflag:s23], $0x1  }
0xa3: {  	[sflag:s23] =	ssyncset.done $0x0  }
0xa4: {  	s25 =	simm.s32 $0x1B8E;
	s24 =	sld [smem:$0x3FFE];
	[sflag:s23] =	ssyncadd.s32 $0xFFFFFFFF  }
0xa5: {  	s26 =	simm.s32 $execute0_lowered;
	[smem:$0x3FD2] =	sst s25  }
0xa6: {  	s5 =	sshll.u32 s26, $0x1;
	_ =	strace $0x80000049;
	[dreg:$0x1] =	wrdreg $0xFFFFFFFF  }
0xa7: {  	s28 =	simm.s32 $_size_execute0_lowered;
	s3 =	sadd.s32 s3, s5;
	[dreg:$0x0] =	wrdreg $0x0  }
0xa8: {  	s5 =	sshll.u32 s28, $0x1;
	[dreg:$0x2] =	wrdreg s3  }
0xa9: {  	[dreg:$0x3] =	wrdreg s5  }
0xaa: {  	[dreg:$0x4] =	wrdreg $0xC0  }
0xab: {  	_ =	task [dreg:s7], $0x5FFFF  }
0xac: {  	[dreg:$0x1] =	wrdreg $0xFFFFFFFF  }
0xad: {  	[dreg:$0x0] =	wrdreg $0x60  }
0xae: {  	[dreg:$0x2] =	wrdreg s24  }
0xaf: {  	[dreg:$0x3] =	wrdreg s2  }
0xb0: {  	[dreg:$0x4] =	wrdreg $0x9  }
0xb1: {  	_ =	task.clear_ibuf [dreg:s7], $0x5FFFF;
	_ =	strace $0x90000049  }
0xb2: {  	s29 =	simm.s32 $0x9;
	_ =	strace $0x8000004B  }
0xb3: {  	_ =	swait.ge [sflag:s29], $0x1  }
0xb4: {  	[sflag:s29] =	ssyncadd.s32 $0xFFFFFFFF  }
0xb5: {  	_ =	strace $0x9000004B  }
0xb6: {  	_ =	sfence  }
0xb7: {  	s30 =	sld [smem:$0x0];
	_ =	sdelay $0x2  }
0xb8: {  	s31 =	sshll.u32 s1, $0xD;
	s1 =	sshrl.u32 s1, $0x2  }
0xb9: {  	s3 =	sand.u32 $0x4000, s31;
	s1 =	sadd.s32 s1, s30  }
0xba: {  	s0 =	sor.u32 s3, s0;
	s1 =	sshll.u32 s1, $0x11  }
0xbb: {  	s0 =	sor.u32 s1, s0  }
0xbc: {  	s0 =	sadd.s32 $0x8F2B, s0  }
0xbd: {  	[sflag:s0] =	ssyncadd.remote.s32 $0x1  }
0xbe: {  	_ =	sfence.sel $0xFFFF  }
0xbf: {  	[dreg:$0x0] =	wrdreg $0xFFFFFFFF;
	(pc) =	sbr.abs _section_cstart, $3  }
0xc0: {  	[dreg:$0x1] =	wrdreg $0xFFFFFFFF  }
0xc1: {  	_ =	task.clear_ibuf [dreg:s7], $0x2FFFF;
	_ =	strace $0x9FFFFFFF  }
0xc2: {  	(tm) =	ssettm $0x7FFFFFFF  }
0xc3: {  	_ =	shalt  }
tec
execute0_lowered:
.L_overlay_start_1:
0x0: {  	(tag) =	ssettag $0x1  }
0x1: {  	s0 =	rddreg [dreg:$0x0]  }
0x2: {  	s5 =	rddreg [dreg:$0x1];
	s3 =	srdreg.scid  }
0x3: {  	s2 =	simm.s32 $0x0;
	s1 =	stileid.u32;
	s26 =	simm.s32 $0x880  }
0x4: {  	s10 =	simm.s32 $0x1880;
	s11 =	simm.s32 $0x2080;
	s12 =	simm.s32 $0x2880  }
0x5: {  	s13 =	simm.s32 $0x3080;
	s14 =	simm.s32 $0x3880;
	s15 =	simm.s32 $0x4080  }
0x6: {  	s16 =	simm.s32 $0x4880;
	s17 =	simm.s32 $0x5080;
	s18 =	simm.s32 $0x5880  }
0x7: {  	s19 =	simm.s32 $0x6080;
	s20 =	simm.s32 $0x6880;
	s21 =	simm.s32 $0x7080  }
0x8: {  	s22 =	simm.s32 $0x7880;
	s28 =	simm.s32 $0xA080;
	s29 =	simm.s32 $0xA880  }
0x9: {  	s30 =	simm.s32 $0xB080;
	s31 =	simm.s32 $0xB880;
	s3 =	sand.u32 $0x1, s3  }
0xa: {  	[smem:$0x7FF] =	sst s2;
	s4 =	sshll.u32 s1, $0x4;
	s6 =	sshll.u32 s3, $0x3  }
0xb: {  	_ =	strace $0x8000004A;
	s23 =	ssub.s32 $0x2, s3;
	s3 =	sadd.s32 $0x9C00, s0  }
0xc: {  	[dreg:$0x5] =	wrdreg s26;
	s26 =	simm.s32 $0x9880;
	s4 =	sor.u32 s6, s4  }
0xd: {  	s8 =	sshrl.u32 s23, $0x1;
	s7 =	sadd.s32 s4, s0;
	s9 =	smul.u32 $0x300, s4  }
0xe: {  	s6 =	ssub.s32 s23, s8;
	s4 =	sadd.s32 $0x9D00, s0;
	s8 =	simm.s32 $0x80  }
0xf: {  	s23 =	simm.s32 $0x8080;
	s24 =	sadd.s32 $0x9A00, s7;
	s6 =	smax.u32 s6, $0x1  }
0x10: {  	v2 =	vlaneseq.u32;
	s7 =	simm.s32 $0x2;
	[dreg:$0x3] =	wrdreg s24;
	s25 =	sadd.s32 s5, s9  }
0x11: {  	vm0 =	vmmov $0xffff;
	v1 =	vshrl.u32 v2, $0x3;
	s5 =	sadd.s32 $0x9E00, s0;
	s9 =	simm.s32 $0x1080;
	s24 =	simm.s32 $0x8880  }
0x12: {  	v0 =	vand.u32 $0x7, v2;
	v2 =	vor.u32 $0x8, v2;
	v1 =	vmul.u32 $0x8, v1;
	s0 =	simm.s32 $0x1;
	[dreg:$0x4] =	wrdreg s25;
	s25 =	simm.s32 $0x9080  }
.LBB2_1:
0x13: {  	s1 =	rddreg [dreg:$0x3]  }
0x14: {  	[tilespmem:s2], [sflag:$0x2] =	stream.linear.gather [hbm4b:s1+s2], $0x40, $0x38;
	[tilespmem:$0xC080] =	vst v63  }
0x15: {  	_ =	swait.ge [sflag:s7], $0x40  }
0x16: {  	[sflag:s7] =	ssyncset.done $0x0  }
0x17: {  	[sflag:s7] =	ssyncadd.s32 $0xFFFFFFC0  }
0x18: {  	v3 =	vld [tilespmem:$0x0];
	_ =	sdelay $0x4  }
0x19: {  	v4 =	vshrl.u32 v3, $0x3  }
0x1a: {  	v4 =	vmul.u32 $0x30, v4  }
0x1b: {  	v3 =	vand.u32 $0x7, v3  }
0x1c: {  	v3 =	vor.u32 v3, v4  }
0x1d: {  	v4 =	vperm.xlane v3, v0;
	_ =	sdelay $0x1  }
0x1e: {  	v4 =	vadd.s32 v1, v4;
	_ =	sdelay $0x3  }
0x1f: {  	v3 =	vperm.xlane v3, v2  }
0x20: {  	[tilespmem:s8], [sflag:$0x1] =	stream.indirect_vreg.gather [hbm4b:s3+s2], $0x80, v4, vm0, $0xb8;
	[tilespmem:$0xC080] =	vst v63  }
0x21: {  	s1 =	rddreg [dreg:$0x5];
	v3 =	vadd.s32 v1, v3  }
0x22: {  	[tilespmem:s1], [sflag:$0x1] =	stream.indirect_vreg.gather [hbm4b:s4+s2], $0x80, v4, vm0, $0xb8;
	[tilespmem:$0xC080] =	vst v63  }
0x23: {  	_ = 	snop  }
0x24: {  	[tilespmem:s9], [sflag:$0x1] =	stream.indirect_vreg.gather [hbm4b:s5+s2], $0x80, v4, vm0, $0xb8;
	[tilespmem:$0xC080] =	vst v63  }
0x25: {  	_ = 	snop  }
0x26: {  	[tilespmem:s10], [sflag:$0x1] =	stream.indirect_vreg.gather [hbm4b:s3+s2], $0x80, v3, vm0, $0xb8;
	[tilespmem:$0xC080] =	vst v63  }
0x27: {  	_ = 	snop  }
0x28: {  	[tilespmem:s11], [sflag:$0x1] =	stream.indirect_vreg.gather [hbm4b:s4+s2], $0x80, v3, vm0, $0xb8;
	[tilespmem:$0xC080] =	vst v63  }
0x29: {  	_ = 	snop  }
0x2a: {  	[tilespmem:s12], [sflag:$0x1] =	stream.indirect_vreg.gather [hbm4b:s5+s2], $0x80, v3, vm0, $0xb8;
	[tilespmem:$0xC080] =	vst v63  }
0x2b: {  	v3 =	vld [tilespmem:$0x10];
	_ =	sdelay $0x4  }
0x2c: {  	v61 =	vshrl.u32 v3, $0x3  }
0x2d: {  	v4 =	vmul.u32 $0x30, v61  }
0x2e: {  	v3 =	vand.u32 $0x7, v3  }
0x2f: {  	v3 =	vor.u32 v3, v4  }
0x30: {  	v4 =	vperm.xlane v3, v0;
	_ =	sdelay $0x1  }
0x31: {  	v4 =	vadd.s32 v1, v4;
	_ =	sdelay $0x3  }
0x32: {  	v3 =	vperm.xlane v3, v2  }
0x33: {  	[tilespmem:s13], [sflag:$0x1] =	stream.indirect_vreg.gather [hbm4b:s3+s2], $0x80, v4, vm0, $0xb8;
	[tilespmem:$0xC080] =	vst v63  }
0x34: {  	v3 =	vadd.s32 v1, v3  }
0x35: {  	[tilespmem:s14], [sflag:$0x1] =	stream.indirect_vreg.gather [hbm4b:s4+s2], $0x80, v4, vm0, $0xb8;
	[tilespmem:$0xC080] =	vst v63  }
0x36: {  	_ = 	snop  }
0x37: {  	[tilespmem:s15], [sflag:$0x1] =	stream.indirect_vreg.gather [hbm4b:s5+s2], $0x80, v4, vm0, $0xb8;
	[tilespmem:$0xC080] =	vst v63  }
0x38: {  	_ = 	snop  }
0x39: {  	[tilespmem:s16], [sflag:$0x1] =	stream.indirect_vreg.gather [hbm4b:s3+s2], $0x80, v3, vm0, $0xb8;
	[tilespmem:$0xC080] =	vst v63  }
0x3a: {  	_ = 	snop  }
0x3b: {  	[tilespmem:s17], [sflag:$0x1] =	stream.indirect_vreg.gather [hbm4b:s4+s2], $0x80, v3, vm0, $0xb8;
	[tilespmem:$0xC080] =	vst v63  }
0x3c: {  	_ = 	snop  }
0x3d: {  	[tilespmem:s18], [sflag:$0x1] =	stream.indirect_vreg.gather [hbm4b:s5+s2], $0x80, v3, vm0, $0xb8;
	[tilespmem:$0xC080] =	vst v63  }
0x3e: {  	v3 =	vld [tilespmem:$0x20];
	_ =	sdelay $0x4  }
0x3f: {  	v62 =	vshrl.u32 v3, $0x3  }
0x40: {  	v4 =	vmul.u32 $0x30, v62  }
0x41: {  	v3 =	vand.u32 $0x7, v3  }
0x42: {  	v3 =	vor.u32 v3, v4  }
0x43: {  	v4 =	vperm.xlane v3, v0;
	_ =	sdelay $0x1  }
0x44: {  	v4 =	vadd.s32 v1, v4;
	_ =	sdelay $0x3  }
0x45: {  	v3 =	vperm.xlane v3, v2  }
0x46: {  	[tilespmem:s19], [sflag:$0x1] =	stream.indirect_vreg.gather [hbm4b:s3+s2], $0x80, v4, vm0, $0xb8;
	[tilespmem:$0xC080] =	vst v63  }
0x47: {  	v3 =	vadd.s32 v1, v3  }
0x48: {  	[tilespmem:s20], [sflag:$0x1] =	stream.indirect_vreg.gather [hbm4b:s4+s2], $0x80, v4, vm0, $0xb8;
	[tilespmem:$0xC080] =	vst v63  }
0x49: {  	_ = 	snop  }
0x4a: {  	[tilespmem:s21], [sflag:$0x1] =	stream.indirect_vreg.gather [hbm4b:s5+s2], $0x80, v4, vm0, $0xb8;
	[tilespmem:$0xC080] =	vst v63  }
0x4b: {  	_ = 	snop  }
0x4c: {  	[tilespmem:s22], [sflag:$0x1] =	stream.indirect_vreg.gather [hbm4b:s3+s2], $0x80, v3, vm0, $0xb8;
	[tilespmem:$0xC080] =	vst v63  }
0x4d: {  	_ = 	snop  }
0x4e: {  	[tilespmem:s23], [sflag:$0x1] =	stream.indirect_vreg.gather [hbm4b:s4+s2], $0x80, v3, vm0, $0xb8;
	[tilespmem:$0xC080] =	vst v63  }
0x4f: {  	_ = 	snop  }
0x50: {  	[tilespmem:s24], [sflag:$0x1] =	stream.indirect_vreg.gather [hbm4b:s5+s2], $0x80, v3, vm0, $0xb8;
	[tilespmem:$0xC080] =	vst v63  }
0x51: {  	v3 =	vld [tilespmem:$0x30];
	_ =	sdelay $0x4  }
0x52: {  	v63 =	vshrl.u32 v3, $0x3  }
0x53: {  	v4 =	vmul.u32 $0x30, v63  }
0x54: {  	v3 =	vand.u32 $0x7, v3  }
0x55: {  	v3 =	vor.u32 v3, v4  }
0x56: {  	v4 =	vperm.xlane v3, v0;
	_ =	sdelay $0x1  }
0x57: {  	v4 =	vadd.s32 v1, v4;
	_ =	sdelay $0x3  }
0x58: {  	v3 =	vperm.xlane v3, v2  }
0x59: {  	[tilespmem:s25], [sflag:$0x1] =	stream.indirect_vreg.gather [hbm4b:s3+s2], $0x80, v4, vm0, $0xb8;
	[tilespmem:$0xC080] =	vst v63  }
0x5a: {  	v3 =	vadd.s32 v1, v3  }
0x5b: {  	[tilespmem:s26], [sflag:$0x1] =	stream.indirect_vreg.gather [hbm4b:s4+s2], $0x80, v4, vm0, $0xb8;
	[tilespmem:$0xC080] =	vst v63  }
0x5c: {  	_ = 	snop  }
0x5d: {  	[tilespmem:s28], [sflag:$0x1] =	stream.indirect_vreg.gather [hbm4b:s5+s2], $0x80, v4, vm0, $0xb8;
	[tilespmem:$0xC080] =	vst v63  }
0x5e: {  	_ = 	snop  }
0x5f: {  	[tilespmem:s29], [sflag:$0x1] =	stream.indirect_vreg.gather [hbm4b:s3+s2], $0x80, v3, vm0, $0xb8;
	[tilespmem:$0xC080] =	vst v63  }
0x60: {  	_ = 	snop  }
0x61: {  	[tilespmem:s30], [sflag:$0x1] =	stream.indirect_vreg.gather [hbm4b:s4+s2], $0x80, v3, vm0, $0xb8;
	[tilespmem:$0xC080] =	vst v63  }
0x62: {  	_ = 	snop  }
0x63: {  	[tilespmem:s31], [sflag:$0x1] =	stream.indirect_vreg.gather [hbm4b:s5+s2], $0x80, v3, vm0, $0xb8;
	[tilespmem:$0xC080] =	vst v63  }
0x64: {  	_ =	swait.ge [sflag:s0], $0xC000  }
0x65: {  	p0 =	sne.s32 s6, $0x1;
	[sflag:s0] =	ssyncset.done $0x0  }
.Ltmp0:
0x66: {  	s1 =	rddreg [dreg:$0x4];
	[sflag:s0] =	ssyncadd.s32 $0xFFFF4000;
	(pc) =	sbr.rel @p0 .LBB2_1-.Ltmp0, $4  }
0x67: {  	[hbm4b:s1+s2] =	stream.linear.scatter [tilespmem:s8], [sflag:$0x2], $0xC000, $0x38;
	[tilespmem:$0xC080] =	vst v63  }
0x68: {  	_ =	swait.ge [sflag:s7], $0xC000  }
0x69: {  	[sflag:s7] =	ssyncset.done $0x0  }
0x6a: {  	s6 =	sadd.s32 $0xFFFFFFFF, s6;
	[sflag:s7] =	ssyncadd.s32 $0xFFFF4000  }
0x6b: {  	_ =	sfence.sel $0x180000  }
0x6c: {  	[bflag:$0x0] =	sbarrier.arrive $0xFFFF  }
0x6d: {  	_ =	strace $0x9000004A  }
0x6e: {  	s0 =	stileid.u32;
	[bflag:$0x2] =	sbarrier.arrive $0xFFFF  }
0x6f: {  	p0 =	sne.s32 s0, $0x0;
	s0 =	rddreg [dreg:$0x2]  }
0x70: {  	s0 =	sadd.s32 @!p0 $0x100000, s0  }
0x71: {  	[sflag:s0] =	ssyncadd.tile.s32 @!p0 $0x1;
	_ =	shalt  }
.Lfunc_end2:
_tile_overlayer_lowered:
.L_overlay_start_2:
0x72: {  	(tag) =	ssettag $0x2  }
0x73: {  	s0 =	rddreg [dreg:$0x0];
	s2 =	stileid.u32  }
0x74: {  	s1 =	rddreg [dreg:$0x1];
	p0 =	sne.s32 s2, $0x0  }
0x75: {  	s3 =	rddreg [dreg:$0x2];
	[bflag:$0x3] =	sbarrier.arrive $0xFFFF;
	s2 =	simm.s32 @!p0 $0x1C02  }
0x76: {  	[timem:s3], [sflag:s2] =	dma.local @!p0 [hbm:s0], s1  }
0x77: {  	s0 =	simm.s32 @!p0 $0x2  }
0x78: {  	_ =	swait.ge @!p0 [sflag:s0], s1  }
0x79: {  	s1 =	ssub.s32 @!p0 $0x0, s1;
	[sflag:s0] =	ssyncset.done @!p0 $0x0  }
0x7a: {  	[sflag:s0] =	ssyncadd.s32 @!p0 s1  }
0x7b: {  	[bflag:$0x3] =	sbarrier.arrive $0xFFFF  }
0x7c: {  	_ =	shalt  }

</sc_bundles>
